<compile_context>
chip_gen: v7x
topology: tpu7x:2x2x1
jax: 0.10.2.dev20260603
libtpu: 0.0.44.dev20260713+nightly
codegen_flags: <defaults>
</compile_context>

<pallas_src>
import functools

import jax
import jax.numpy as jnp
from jax import lax
from jax.experimental import pallas as pl
from jax.experimental.pallas import tpu as pltpu
from jax.experimental.pallas import tpu_sc as plsc

_N = 10000
_E = 320000
_D = 128

_NC = 2
_NS = 16
_NW = _NC * _NS
_C = 40
_EPW = _E // _NW
_NCHUNK = _EPW // _C
_RPT = 632
_RPT_LAST = _N - 15 * _RPT

_mesh = plsc.VectorSubcoreMesh(core_axis_name="c", subcore_axis_name="s")


@functools.partial(
    pl.kernel,
    mesh=_mesh,
    out_type=jax.ShapeDtypeStruct((_NC * _N, _D), jnp.float32),
    scratch_types=(
        [pltpu.VMEM((_EPW,), jnp.int32) for _ in range(2)]
        + [pltpu.VMEM((_C, _D), jnp.float32) for _ in range(6)]
        + [pltpu.VMEM_SHARED((_N, _D), jnp.float32)]
        + [pltpu.SemaphoreType.DMA for _ in range(7)]
    ),
)
def _sc_scatter(src_hbm, dst_hbm, node_hbm, edge_hbm, out_hbm,
                srcst, dstst,
                rv0, ev0, rv1, ev1, rv2, ev2,
                acc,
                sst, sg0, sg1, sg2, ss0, ss1, ss2):
    cid = lax.axis_index("c")
    sid = lax.axis_index("s")
    wid = cid * _NS + sid
    base0 = pl.multiple_of(wid * _EPW, 8)

    pltpu.async_copy(src_hbm.at[pl.ds(base0, _EPW)], srcst, sst)
    pltpu.async_copy(dst_hbm.at[pl.ds(base0, _EPW)], dstst, sst)
    r0 = pl.multiple_of(sid * _RPT, 8)

    z16 = jnp.zeros((16,), jnp.float32)

    def _zrow(r, carry):
        for c in range(_D // 16):
            rv0[r, pl.ds(c * 16, 16)] = z16
        return carry

    lax.fori_loop(0, _C, _zrow, 0)

    @pl.when(sid < _NS - 1)
    def _():
        for k in range(_RPT // _C):
            pltpu.sync_copy(rv0.at[pl.ds(0, _C)], acc.at[pl.ds(r0 + k * _C, _C)])
        nfull = _RPT // _C
        pltpu.sync_copy(rv0.at[pl.ds(0, _RPT - nfull * _C)],
                        acc.at[pl.ds(r0 + nfull * _C, _RPT - nfull * _C)])

    @pl.when(sid == _NS - 1)
    def _():
        for k in range(_RPT_LAST // _C):
            pltpu.sync_copy(rv0.at[pl.ds(0, _C)],
                            acc.at[pl.ds(15 * _RPT + k * _C, _C)])

    pltpu.make_async_copy(src_hbm.at[pl.ds(base0, _EPW)], srcst, sst).wait()
    pltpu.make_async_copy(dst_hbm.at[pl.ds(base0, _EPW)], dstst, sst).wait()
    plsc.subcore_barrier()

    bufs = ((rv0, ev0, sg0, ss0), (rv1, ev1, sg1, ss1), (rv2, ev2, sg2, ss2))

    def G(j, p):
        base = pl.multiple_of(base0 + j * _C, 8)
        rv, ev, sg, _ = bufs[p]
        pltpu.async_copy(node_hbm.at[srcst.at[pl.ds(j * _C, _C)]], rv, sg)
        pltpu.async_copy(edge_hbm.at[pl.ds(base, _C)], ev, sg)

    def WG(j, p):
        base = pl.multiple_of(base0 + j * _C, 8)
        rv, ev, sg, _ = bufs[p]
        pltpu.make_async_copy(node_hbm.at[srcst.at[pl.ds(j * _C, _C)]], rv, sg).wait()
        pltpu.make_async_copy(edge_hbm.at[pl.ds(base, _C)], ev, sg).wait()

    def S(j, p):
        rv, ev, _, ss = bufs[p]
        pltpu.async_copy(rv, acc.at[dstst.at[pl.ds(j * _C, _C)]], ss, add=True)
        pltpu.async_copy(ev, acc.at[dstst.at[pl.ds(j * _C, _C)]], ss, add=True)

    def WS(j, p):
        rv, ev, _, ss = bufs[p]
        pltpu.make_async_copy(rv, acc.at[dstst.at[pl.ds(j * _C, _C)]], ss).wait()
        pltpu.make_async_copy(ev, acc.at[dstst.at[pl.ds(j * _C, _C)]], ss).wait()

    def iter_j(j, p, wait_sc=True):
        if wait_sc:
            WS(j - 3, p)
        G(j, p)
        WG(j - 1, (p + 2) % 3)
        S(j - 1, (p + 2) % 3)

    G(0, 0)
    iter_j(1, 1, wait_sc=False)
    iter_j(2, 2, wait_sc=False)

    def tri_body(t, carry):
        j0 = 3 * t
        iter_j(j0, 0)
        iter_j(j0 + 1, 1)
        iter_j(j0 + 2, 2)
        return carry

    lax.fori_loop(1, _NCHUNK // 3, tri_body, 0)
    for j in range(3 * (_NCHUNK // 3), _NCHUNK):
        iter_j(j, j % 3)
    jl = _NCHUNK - 1
    WG(jl, jl % 3)
    S(jl, jl % 3)
    WS(jl - 2, (jl - 2) % 3)
    WS(jl - 1, (jl - 1) % 3)
    WS(jl, jl % 3)
    plsc.subcore_barrier()

    @pl.when(sid < _NS - 1)
    def _():
        out_r0 = pl.multiple_of(cid * _N + r0, 8)
        pltpu.sync_copy(acc.at[pl.ds(r0, _RPT)], out_hbm.at[pl.ds(out_r0, _RPT)])

    @pl.when(sid == _NS - 1)
    def _():
        out_l0 = pl.multiple_of(cid * _N + 15 * _RPT, 8)
        pltpu.sync_copy(acc.at[pl.ds(15 * _RPT, _RPT_LAST)],
                        out_hbm.at[pl.ds(out_l0, _RPT_LAST)])


def _mlp_block(p0_ref, p1_ref, w1_ref, b1_ref, w2_ref, b2_ref, o_ref):
    x = p0_ref[...] + p1_ref[...]
    h = jnp.dot(x, w1_ref[...], preferred_element_type=jnp.float32)
    h = jnp.maximum(h + b1_ref[...], 0.0)
    o = jnp.dot(h, w2_ref[...], preferred_element_type=jnp.float32)
    o_ref[...] = o + b2_ref[...]


def kernel(node_feat, edge_feat, edge_index, W1, b1, W2, b2):
    src = edge_index[0]
    dst = edge_index[1]
    part = _sc_scatter(src, dst, node_feat, edge_feat)

    R = 2000
    nblk = _N // R
    out = pl.pallas_call(
        _mlp_block,
        grid=(nblk,),
        in_specs=[
            pl.BlockSpec((R, _D), lambda i: (i, 0)),
            pl.BlockSpec((R, _D), lambda i: (i + nblk, 0)),
            pl.BlockSpec((_D, 2 * _D), lambda i: (0, 0)),
            pl.BlockSpec((1, 2 * _D), lambda i: (0, 0)),
            pl.BlockSpec((2 * _D, _D), lambda i: (0, 0)),
            pl.BlockSpec((1, _D), lambda i: (0, 0)),
        ],
        out_specs=pl.BlockSpec((R, _D), lambda i: (i, 0)),
        out_shape=jax.ShapeDtypeStruct((_N, _D), jnp.float32),
    )(part, part, W1, b1.reshape(1, -1), W2, b2.reshape(1, -1))
    return out

# --- scband reference (transcript-rebuilt; emitter-appended) ---
"""Pipeline reference for scband-gin-55370718380132 (READ-ONLY COPY).

The authoritative reference and input builder live on the scoring server;
editing this copy changes nothing except your own understanding.
"""

import jax, jax.numpy as jnp
import numpy as np

N = 10000
E = 320000
D = 128


def setup_inputs(seed: int = 0) -> dict:
    key = jax.random.key(seed)
    ks = jax.random.split(key, 8)
    node_feat = jax.random.normal(ks[0], (N, D), dtype=jnp.float32)
    edge_feat = jax.random.normal(ks[1], (E, D), dtype=jnp.float32)
    edge_index = jax.random.randint(ks[2], (2, E), 0, N, dtype=jnp.int32)
    # MLP params: Linear(D, 2D) -> ReLU -> Linear(2D, D)
    W1 = jax.random.normal(ks[3], (D, 2 * D), dtype=jnp.float32) * (1.0 / np.sqrt(D))
    b1 = jnp.zeros((2 * D,), dtype=jnp.float32)
    W2 = jax.random.normal(ks[4], (2 * D, D), dtype=jnp.float32) * (1.0 / np.sqrt(2 * D))
    b2 = jnp.zeros((D,), dtype=jnp.float32)
    return {
        "node_feat": node_feat,
        "edge_feat": edge_feat,
        "edge_index": edge_index,
        "W1": W1,
        "b1": b1,
        "W2": W2,
        "b2": b2,
    }


def reference(node_feat, edge_feat, edge_index, W1, b1, W2, b2):
    src = edge_index[0]
    dst = edge_index[1]
    # message: src node feature + edge feature (gather on src)
    msg = jnp.take(node_feat, src, axis=0) + edge_feat
    # recv: sum-reduce messages by destination node (scatter-add)
    agg = jax.ops.segment_sum(msg, dst, num_segments=N)
    # MLP: Linear -> ReLU -> Linear
    h = jnp.maximum(agg @ W1 + b1, 0.0)
    out = h @ W2 + b2
    return out

if __name__ == "__main__":
    import jax
    _d = setup_inputs()
    print(jax.jit(kernel)(*tuple(_d.values())))

</pallas_src>

<mosaic_0001>
#map = affine_map<(d0, d1) -> (0)>
#map1 = affine_map<(d0, d1) -> (0, 0)>
module attributes {stable_mosaic.version = 14 : i64} {
  func.func @_sc_scatter(%arg0: i32, %arg1: i32, %arg2: memref<320000xi32, #tpu.memory_space<hbm>>, %arg3: memref<320000xi32, #tpu.memory_space<hbm>>, %arg4: memref<10000x128xf32, #tpu.memory_space<hbm>>, %arg5: memref<320000x128xf32, #tpu.memory_space<hbm>>, %arg6: memref<20000x128xf32, #tpu.memory_space<hbm>>, %arg7: memref<10000xi32, #tpu.memory_space<vmem>>, %arg8: memref<10000xi32, #tpu.memory_space<vmem>>, %arg9: memref<40x128xf32, #tpu.memory_space<vmem>>, %arg10: memref<40x128xf32, #tpu.memory_space<vmem>>, %arg11: memref<40x128xf32, #tpu.memory_space<vmem>>, %arg12: memref<40x128xf32, #tpu.memory_space<vmem>>, %arg13: memref<40x128xf32, #tpu.memory_space<vmem>>, %arg14: memref<40x128xf32, #tpu.memory_space<vmem>>, %arg15: memref<10000x128xf32, #tpu.memory_space<vmem_shared>>, %arg16: memref<!tpu.dma_semaphore, #tpu.memory_space<semaphore_mem>>, %arg17: memref<!tpu.dma_semaphore, #tpu.memory_space<semaphore_mem>>, %arg18: memref<!tpu.dma_semaphore, #tpu.memory_space<semaphore_mem>>, %arg19: memref<!tpu.dma_semaphore, #tpu.memory_space<semaphore_mem>>, %arg20: memref<!tpu.dma_semaphore, #tpu.memory_space<semaphore_mem>>, %arg21: memref<!tpu.dma_semaphore, #tpu.memory_space<semaphore_mem>>, %arg22: memref<!tpu.dma_semaphore, #tpu.memory_space<semaphore_mem>>) attributes {dimension_semantics = [#tpu.dimension_semantics<core_parallel>, #tpu.dimension_semantics<subcore_parallel>], iteration_bounds = array<i64: 2, 16>, scalar_prefetch = 0 : i64, scratch_operands = 16 : i64, tpu.core_type = #tpu.core_type<sc_vector_subcore>, window_params = [{transform_indices = #map}, {transform_indices = #map}, {transform_indices = #map1}, {transform_indices = #map1}, {transform_indices = #map1}]} {
    %mul3A = arith.constant 16 : i32
    %mul3A_0 = arith.muli %arg0, %mul3A : i32
    %add3A = arith.addi %mul3A_0, %arg1 : i32
    %mul3A_1 = arith.constant 10000 : i32
    %mul3A_2 = arith.muli %add3A, %mul3A_1 : i32
    %multiple_of3A = tpu.assume_multiple %mul3A_2, 8 : i32
    %dma_start3A = tpu.memref_slice %arg2[%multiple_of3A] : memref<320000xi32, #tpu.memory_space<hbm>> -> memref<10000xi32, #tpu.memory_space<hbm>>
    %dma_start3A_3 = tpu.memref_slice %arg2[%multiple_of3A] : memref<320000xi32, #tpu.memory_space<hbm>> -> memref<10000xi32, #tpu.memory_space<hbm>>
    tpu.enqueue_dma source(%dma_start3A_3 : memref<10000xi32, #tpu.memory_space<hbm>>) target(%arg7 : memref<10000xi32, #tpu.memory_space<vmem>>) target_semaphore(%arg16 : memref<!tpu.dma_semaphore, #tpu.memory_space<semaphore_mem>>)
    %dma_start3A_4 = tpu.memref_slice %arg3[%multiple_of3A] : memref<320000xi32, #tpu.memory_space<hbm>> -> memref<10000xi32, #tpu.memory_space<hbm>>
    %dma_start3A_5 = tpu.memref_slice %arg3[%multiple_of3A] : memref<320000xi32, #tpu.memory_space<hbm>> -> memref<10000xi32, #tpu.memory_space<hbm>>
    tpu.enqueue_dma source(%dma_start3A_5 : memref<10000xi32, #tpu.memory_space<hbm>>) target(%arg8 : memref<10000xi32, #tpu.memory_space<vmem>>) target_semaphore(%arg16 : memref<!tpu.dma_semaphore, #tpu.memory_space<semaphore_mem>>)
    %mul3A_6 = arith.constant 632 : i32
    %mul3A_7 = arith.muli %arg1, %mul3A_6 : i32
    %multiple_of3A_8 = tpu.assume_multiple %mul3A_7, 8 : i32
    %broadcast_in_dim3A = arith.constant 0.000000e+00 : f32
    %broadcast_in_dim3A_9 = vector.broadcast %broadcast_in_dim3A : f32 to vector<16xf32>
    %scan3A = arith.constant 0 : i32
    %scan3A_10 = arith.constant 0 : i32
    %scan3A_11 = arith.constant 40 : i32
    %scan3A_12 = arith.addi %scan3A_10, %scan3A_11 : i32
    %scan3A_13 = arith.constant 1 : i32
    scf.for %scan3A_217 = %scan3A_10 to %scan3A_12 step %scan3A_13  : i32 {
      %swap3A = arith.index_cast %scan3A_217 : i32 to index
      %swap3A_218 = arith.constant 0 : index
      %swap3A_219 = tpu.vector_load %arg9[%swap3A, %swap3A_218] {strides = array<i32>} : memref<40x128xf32, #tpu.memory_space<vmem>>, vector<1x16xf32>,
      %swap3A_220 = vector.shape_cast %swap3A_219 : vector<1x16xf32> to vector<16xf32>
      %swap3A_221 = vector.shape_cast %broadcast_in_dim3A_9 : vector<16xf32> to vector<1x16xf32>
      tpu.vector_store %arg9[%swap3A, %swap3A_218], %swap3A_221 {strides = array<i32>} : memref<40x128xf32, #tpu.memory_space<vmem>>, vector<1x16xf32>,
      %swap3A_222 = arith.index_cast %scan3A_217 : i32 to index
      %swap3A_223 = arith.constant 16 : index
      %swap3A_224 = tpu.vector_load %arg9[%swap3A_222, %swap3A_223] {strides = array<i32>} : memref<40x128xf32, #tpu.memory_space<vmem>>, vector<1x16xf32>,
      %swap3A_225 = vector.shape_cast %swap3A_224 : vector<1x16xf32> to vector<16xf32>
      %swap3A_226 = vector.shape_cast %broadcast_in_dim3A_9 : vector<16xf32> to vector<1x16xf32>
      tpu.vector_store %arg9[%swap3A_222, %swap3A_223], %swap3A_226 {strides = array<i32>} : memref<40x128xf32, #tpu.memory_space<vmem>>, vector<1x16xf32>,
      %swap3A_227 = arith.index_cast %scan3A_217 : i32 to index
      %swap3A_228 = arith.constant 32 : index
      %swap3A_229 = tpu.vector_load %arg9[%swap3A_227, %swap3A_228] {strides = array<i32>} : memref<40x128xf32, #tpu.memory_space<vmem>>, vector<1x16xf32>,
      %swap3A_230 = vector.shape_cast %swap3A_229 : vector<1x16xf32> to vector<16xf32>
      %swap3A_231 = vector.shape_cast %broadcast_in_dim3A_9 : vector<16xf32> to vector<1x16xf32>
      tpu.vector_store %arg9[%swap3A_227, %swap3A_228], %swap3A_231 {strides = array<i32>} : memref<40x128xf32, #tpu.memory_space<vmem>>, vector<1x16xf32>,
      %swap3A_232 = arith.index_cast %scan3A_217 : i32 to index
      %swap3A_233 = arith.constant 48 : index
      %swap3A_234 = tpu.vector_load %arg9[%swap3A_232, %swap3A_233] {strides = array<i32>} : memref<40x128xf32, #tpu.memory_space<vmem>>, vector<1x16xf32>,
      %swap3A_235 = vector.shape_cast %swap3A_234 : vector<1x16xf32> to vector<16xf32>
      %swap3A_236 = vector.shape_cast %broadcast_in_dim3A_9 : vector<16xf32> to vector<1x16xf32>
      tpu.vector_store %arg9[%swap3A_232, %swap3A_233], %swap3A_236 {strides = array<i32>} : memref<40x128xf32, #tpu.memory_space<vmem>>, vector<1x16xf32>,
      %swap3A_237 = arith.index_cast %scan3A_217 : i32 to index
      %swap3A_238 = arith.constant 64 : index
      %swap3A_239 = tpu.vector_load %arg9[%swap3A_237, %swap3A_238] {strides = array<i32>} : memref<40x128xf32, #tpu.memory_space<vmem>>, vector<1x16xf32>,
      %swap3A_240 = vector.shape_cast %swap3A_239 : vector<1x16xf32> to vector<16xf32>
      %swap3A_241 = vector.shape_cast %broadcast_in_dim3A_9 : vector<16xf32> to vector<1x16xf32>
      tpu.vector_store %arg9[%swap3A_237, %swap3A_238], %swap3A_241 {strides = array<i32>} : memref<40x128xf32, #tpu.memory_space<vmem>>, vector<1x16xf32>,
      %swap3A_242 = arith.index_cast %scan3A_217 : i32 to index
      %swap3A_243 = arith.constant 80 : index
      %swap3A_244 = tpu.vector_load %arg9[%swap3A_242, %swap3A_243] {strides = array<i32>} : memref<40x128xf32, #tpu.memory_space<vmem>>, vector<1x16xf32>,
      %swap3A_245 = vector.shape_cast %swap3A_244 : vector<1x16xf32> to vector<16xf32>
      %swap3A_246 = vector.shape_cast %broadcast_in_dim3A_9 : vector<16xf32> to vector<1x16xf32>
      tpu.vector_store %arg9[%swap3A_242, %swap3A_243], %swap3A_246 {strides = array<i32>} : memref<40x128xf32, #tpu.memory_space<vmem>>, vector<1x16xf32>,
      %swap3A_247 = arith.index_cast %scan3A_217 : i32 to index
      %swap3A_248 = arith.constant 96 : index
      %swap3A_249 = tpu.vector_load %arg9[%swap3A_247, %swap3A_248] {strides = array<i32>} : memref<40x128xf32, #tpu.memory_space<vmem>>, vector<1x16xf32>,
      %swap3A_250 = vector.shape_cast %swap3A_249 : vector<1x16xf32> to vector<16xf32>
      %swap3A_251 = vector.shape_cast %broadcast_in_dim3A_9 : vector<16xf32> to vector<1x16xf32>
      tpu.vector_store %arg9[%swap3A_247, %swap3A_248], %swap3A_251 {strides = array<i32>} : memref<40x128xf32, #tpu.memory_space<vmem>>, vector<1x16xf32>,
      %swap3A_252 = arith.index_cast %scan3A_217 : i32 to index
      %swap3A_253 = arith.constant 112 : index
      %swap3A_254 = tpu.vector_load %arg9[%swap3A_252, %swap3A_253] {strides = array<i32>} : memref<40x128xf32, #tpu.memory_space<vmem>>, vector<1x16xf32>,
      %swap3A_255 = vector.shape_cast %swap3A_254 : vector<1x16xf32> to vector<16xf32>
      %swap3A_256 = vector.shape_cast %broadcast_in_dim3A_9 : vector<16xf32> to vector<1x16xf32>
      tpu.vector_store %arg9[%swap3A_252, %swap3A_253], %swap3A_256 {strides = array<i32>} : memref<40x128xf32, #tpu.memory_space<vmem>>, vector<1x16xf32>,
    }
    %scan3A_14 = arith.constant 40 : i32
    %lt3A = arith.constant 15 : i32
    %lt3A_15 = arith.cmpi slt, %arg1, %lt3A : i32
    %convert_element_type3A = arith.extui %lt3A_15 : i1 to i32
    %cond3A = arith.constant 0 : i32
    %cond3A_16 = arith.cmpi ne, %convert_element_type3A, %cond3A : i32
    scf.if %cond3A_16 {
      %add3A_217 = arith.constant 0 : i32
      %add3A_218 = arith.addi %multiple_of3A_8, %add3A_217 : i32
      "tpu.region"() ({
        %run_scoped3A = tpu.sem_alloc : memref<!tpu.dma_semaphore, #tpu.memory_space<semaphore_mem>>
        %dma_start3A_249 = arith.constant 0 : i32
        %dma_start3A_250 = arith.constant 0 : i32
        %dma_start3A_251 = tpu.memref_slice %arg9[%dma_start3A_249, %dma_start3A_250] : memref<40x128xf32, #tpu.memory_space<vmem>> -> memref<40x128xf32, #tpu.memory_space<vmem>>
        %dma_start3A_252 = arith.constant 0 : i32
        %dma_start3A_253 = tpu.memref_slice %arg15[%add3A_218, %dma_start3A_252] : memref<10000x128xf32, #tpu.memory_space<vmem_shared>> -> memref<40x128xf32, #tpu.memory_space<vmem_shared>>
        %dma_start3A_254 = arith.constant 0 : i32
        %dma_start3A_255 = tpu.memref_slice %arg15[%add3A_218, %dma_start3A_254] : memref<10000x128xf32, #tpu.memory_space<vmem_shared>> -> memref<40x128xf32, #tpu.memory_space<vmem_shared>>
        %dma_start3A_256 = arith.constant 0 : i32
        %dma_start3A_257 = arith.constant 0 : i32
        %dma_start3A_258 = tpu.memref_slice %arg9[%dma_start3A_256, %dma_start3A_257] : memref<40x128xf32, #tpu.memory_space<vmem>> -> memref<40x128xf32, #tpu.memory_space<vmem>>
        tpu.enqueue_dma source(%dma_start3A_258 : memref<40x128xf32, #tpu.memory_space<vmem>>) target(%dma_start3A_255 : memref<40x128xf32, #tpu.memory_space<vmem_shared>>) target_semaphore(%run_scoped3A : memref<!tpu.dma_semaphore, #tpu.memory_space<semaphore_mem>>)
        %dma_wait3A_259 = arith.constant 0 : i32
        %dma_wait3A_260 = arith.constant 0 : i32
        %dma_wait3A_261 = tpu.memref_slice %arg9[%dma_wait3A_259, %dma_wait3A_260] : memref<40x128xf32, #tpu.memory_space<vmem>> -> memref<40x128xf32, #tpu.memory_space<vmem>>
        %dma_wait3A_262 = arith.constant 0 : i32
        %dma_wait3A_263 = tpu.memref_slice %arg15[%add3A_218, %dma_wait3A_262] : memref<10000x128xf32, #tpu.memory_space<vmem_shared>> -> memref<40x128xf32, #tpu.memory_space<vmem_shared>>
        %dma_wait3A_264 = arith.constant 0 : i32
        %dma_wait3A_265 = tpu.memref_slice %arg15[%add3A_218, %dma_wait3A_264] : memref<10000x128xf32, #tpu.memory_space<vmem_shared>> -> memref<40x128xf32, #tpu.memory_space<vmem_shared>>
        %dma_wait3A_266 = arith.constant 0 : i32
        %dma_wait3A_267 = arith.constant 0 : i32
        %dma_wait3A_268 = tpu.memref_slice %arg9[%dma_wait3A_266, %dma_wait3A_267] : memref<40x128xf32, #tpu.memory_space<vmem>> -> memref<40x128xf32, #tpu.memory_space<vmem>>
        tpu.wait_dma2 semaphore(%run_scoped3A : memref<!tpu.dma_semaphore, #tpu.memory_space<semaphore_mem>>) src(%dma_wait3A_268 : memref<40x128xf32, #tpu.memory_space<vmem>>) dst(%dma_wait3A_265 : memref<40x128xf32, #tpu.memory_space<vmem_shared>>)
        tpu.yield
      }) : () -> ()
      %add3A_219 = arith.constant 40 : i32
      %add3A_220 = arith.addi %multiple_of3A_8, %add3A_219 : i32
      "tpu.region"() ({
        %run_scoped3A = tpu.sem_alloc : memref<!tpu.dma_semaphore, #tpu.memory_space<semaphore_mem>>
        %dma_start3A_249 = arith.constant 0 : i32
        %dma_start3A_250 = arith.constant 0 : i32
        %dma_start3A_251 = tpu.memref_slice %arg9[%dma_start3A_249, %dma_start3A_250] : memref<40x128xf32, #tpu.memory_space<vmem>> -> memref<40x128xf32, #tpu.memory_space<vmem>>
        %dma_start3A_252 = arith.constant 0 : i32
        %dma_start3A_253 = tpu.memref_slice %arg15[%add3A_220, %dma_start3A_252] : memref<10000x128xf32, #tpu.memory_space<vmem_shared>> -> memref<40x128xf32, #tpu.memory_space<vmem_shared>>
        %dma_start3A_254 = arith.constant 0 : i32
        %dma_start3A_255 = tpu.memref_slice %arg15[%add3A_220, %dma_start3A_254] : memref<10000x128xf32, #tpu.memory_space<vmem_shared>> -> memref<40x128xf32, #tpu.memory_space<vmem_shared>>
        %dma_start3A_256 = arith.constant 0 : i32
        %dma_start3A_257 = arith.constant 0 : i32
        %dma_start3A_258 = tpu.memref_slice %arg9[%dma_start3A_256, %dma_start3A_257] : memref<40x128xf32, #tpu.memory_space<vmem>> -> memref<40x128xf32, #tpu.memory_space<vmem>>
        tpu.enqueue_dma source(%dma_start3A_258 : memref<40x128xf32, #tpu.memory_space<vmem>>) target(%dma_start3A_255 : memref<40x128xf32, #tpu.memory_space<vmem_shared>>) target_semaphore(%run_scoped3A : memref<!tpu.dma_semaphore, #tpu.memory_space<semaphore_mem>>)
        %dma_wait3A_259 = arith.constant 0 : i32
        %dma_wait3A_260 = arith.constant 0 : i32
        %dma_wait3A_261 = tpu.memref_slice %arg9[%dma_wait3A_259, %dma_wait3A_260] : memref<40x128xf32, #tpu.memory_space<vmem>> -> memref<40x128xf32, #tpu.memory_space<vmem>>
        %dma_wait3A_262 = arith.constant 0 : i32
        %dma_wait3A_263 = tpu.memref_slice %arg15[%add3A_220, %dma_wait3A_262] : memref<10000x128xf32, #tpu.memory_space<vmem_shared>> -> memref<40x128xf32, #tpu.memory_space<vmem_shared>>
        %dma_wait3A_264 = arith.constant 0 : i32
        %dma_wait3A_265 = tpu.memref_slice %arg15[%add3A_220, %dma_wait3A_264] : memref<10000x128xf32, #tpu.memory_space<vmem_shared>> -> memref<40x128xf32, #tpu.memory_space<vmem_shared>>
        %dma_wait3A_266 = arith.constant 0 : i32
        %dma_wait3A_267 = arith.constant 0 : i32
        %dma_wait3A_268 = tpu.memref_slice %arg9[%dma_wait3A_266, %dma_wait3A_267] : memref<40x128xf32, #tpu.memory_space<vmem>> -> memref<40x128xf32, #tpu.memory_space<vmem>>
        tpu.wait_dma2 semaphore(%run_scoped3A : memref<!tpu.dma_semaphore, #tpu.memory_space<semaphore_mem>>) src(%dma_wait3A_268 : memref<40x128xf32, #tpu.memory_space<vmem>>) dst(%dma_wait3A_265 : memref<40x128xf32, #tpu.memory_space<vmem_shared>>)
        tpu.yield
      }) : () -> ()
      %add3A_221 = arith.constant 80 : i32
      %add3A_222 = arith.addi %multiple_of3A_8, %add3A_221 : i32
      "tpu.region"() ({
        %run_scoped3A = tpu.sem_alloc : memref<!tpu.dma_semaphore, #tpu.memory_space<semaphore_mem>>
        %dma_start3A_249 = arith.constant 0 : i32
        %dma_start3A_250 = arith.constant 0 : i32
        %dma_start3A_251 = tpu.memref_slice %arg9[%dma_start3A_249, %dma_start3A_250] : memref<40x128xf32, #tpu.memory_space<vmem>> -> memref<40x128xf32, #tpu.memory_space<vmem>>
        %dma_start3A_252 = arith.constant 0 : i32
        %dma_start3A_253 = tpu.memref_slice %arg15[%add3A_222, %dma_start3A_252] : memref<10000x128xf32, #tpu.memory_space<vmem_shared>> -> memref<40x128xf32, #tpu.memory_space<vmem_shared>>
        %dma_start3A_254 = arith.constant 0 : i32
        %dma_start3A_255 = tpu.memref_slice %arg15[%add3A_222, %dma_start3A_254] : memref<10000x128xf32, #tpu.memory_space<vmem_shared>> -> memref<40x128xf32, #tpu.memory_space<vmem_shared>>
        %dma_start3A_256 = arith.constant 0 : i32
        %dma_start3A_257 = arith.constant 0 : i32
        %dma_start3A_258 = tpu.memref_slice %arg9[%dma_start3A_256, %dma_start3A_257] : memref<40x128xf32, #tpu.memory_space<vmem>> -> memref<40x128xf32, #tpu.memory_space<vmem>>
        tpu.enqueue_dma source(%dma_start3A_258 : memref<40x128xf32, #tpu.memory_space<vmem>>) target(%dma_start3A_255 : memref<40x128xf32, #tpu.memory_space<vmem_shared>>) target_semaphore(%run_scoped3A : memref<!tpu.dma_semaphore, #tpu.memory_space<semaphore_mem>>)
        %dma_wait3A_259 = arith.constant 0 : i32
        %dma_wait3A_260 = arith.constant 0 : i32
        %dma_wait3A_261 = tpu.memref_slice %arg9[%dma_wait3A_259, %dma_wait3A_260] : memref<40x128xf32, #tpu.memory_space<vmem>> -> memref<40x128xf32, #tpu.memory_space<vmem>>
        %dma_wait3A_262 = arith.constant 0 : i32
        %dma_wait3A_263 = tpu.memref_slice %arg15[%add3A_222, %dma_wait3A_262] : memref<10000x128xf32, #tpu.memory_space<vmem_shared>> -> memref<40x128xf32, #tpu.memory_space<vmem_shared>>
        %dma_wait3A_264 = arith.constant 0 : i32
        %dma_wait3A_265 = tpu.memref_slice %arg15[%add3A_222, %dma_wait3A_264] : memref<10000x128xf32, #tpu.memory_space<vmem_shared>> -> memref<40x128xf32, #tpu.memory_space<vmem_shared>>
        %dma_wait3A_266 = arith.constant 0 : i32
        %dma_wait3A_267 = arith.constant 0 : i32
        %dma_wait3A_268 = tpu.memref_slice %arg9[%dma_wait3A_266, %dma_wait3A_267] : memref<40x128xf32, #tpu.memory_space<vmem>> -> memref<40x128xf32, #tpu.memory_space<vmem>>
        tpu.wait_dma2 semaphore(%run_scoped3A : memref<!tpu.dma_semaphore, #tpu.memory_space<semaphore_mem>>) src(%dma_wait3A_268 : memref<40x128xf32, #tpu.memory_space<vmem>>) dst(%dma_wait3A_265 : memref<40x128xf32, #tpu.memory_space<vmem_shared>>)
        tpu.yield
      }) : () -> ()
      %add3A_223 = arith.constant 120 : i32
      %add3A_224 = arith.addi %multiple_of3A_8, %add3A_223 : i32
      "tpu.region"() ({
        %run_scoped3A = tpu.sem_alloc : memref<!tpu.dma_semaphore, #tpu.memory_space<semaphore_mem>>
        %dma_start3A_249 = arith.constant 0 : i32
        %dma_start3A_250 = arith.constant 0 : i32
        %dma_start3A_251 = tpu.memref_slice %arg9[%dma_start3A_249, %dma_start3A_250] : memref<40x128xf32, #tpu.memory_space<vmem>> -> memref<40x128xf32, #tpu.memory_space<vmem>>
        %dma_start3A_252 = arith.constant 0 : i32
        %dma_start3A_253 = tpu.memref_slice %arg15[%add3A_224, %dma_start3A_252] : memref<10000x128xf32, #tpu.memory_space<vmem_shared>> -> memref<40x128xf32, #tpu.memory_space<vmem_shared>>
        %dma_start3A_254 = arith.constant 0 : i32
        %dma_start3A_255 = tpu.memref_slice %arg15[%add3A_224, %dma_start3A_254] : memref<10000x128xf32, #tpu.memory_space<vmem_shared>> -> memref<40x128xf32, #tpu.memory_space<vmem_shared>>
        %dma_start3A_256 = arith.constant 0 : i32
        %dma_start3A_257 = arith.constant 0 : i32
        %dma_start3A_258 = tpu.memref_slice %arg9[%dma_start3A_256, %dma_start3A_257] : memref<40x128xf32, #tpu.memory_space<vmem>> -> memref<40x128xf32, #tpu.memory_space<vmem>>
        tpu.enqueue_dma source(%dma_start3A_258 : memref<40x128xf32, #tpu.memory_space<vmem>>) target(%dma_start3A_255 : memref<40x128xf32, #tpu.memory_space<vmem_shared>>) target_semaphore(%run_scoped3A : memref<!tpu.dma_semaphore, #tpu.memory_space<semaphore_mem>>)
        %dma_wait3A_259 = arith.constant 0 : i32
        %dma_wait3A_260 = arith.constant 0 : i32
        %dma_wait3A_261 = tpu.memref_slice %arg9[%dma_wait3A_259, %dma_wait3A_260] : memref<40x128xf32, #tpu.memory_space<vmem>> -> memref<40x128xf32, #tpu.memory_space<vmem>>
        %dma_wait3A_262 = arith.constant 0 : i32
        %dma_wait3A_263 = tpu.memref_slice %arg15[%add3A_224, %dma_wait3A_262] : memref<10000x128xf32, #tpu.memory_space<vmem_shared>> -> memref<40x128xf32, #tpu.memory_space<vmem_shared>>
        %dma_wait3A_264 = arith.constant 0 : i32
        %dma_wait3A_265 = tpu.memref_slice %arg15[%add3A_224, %dma_wait3A_264] : memref<10000x128xf32, #tpu.memory_space<vmem_shared>> -> memref<40x128xf32, #tpu.memory_space<vmem_shared>>
        %dma_wait3A_266 = arith.constant 0 : i32
        %dma_wait3A_267 = arith.constant 0 : i32
        %dma_wait3A_268 = tpu.memref_slice %arg9[%dma_wait3A_266, %dma_wait3A_267] : memref<40x128xf32, #tpu.memory_space<vmem>> -> memref<40x128xf32, #tpu.memory_space<vmem>>
        tpu.wait_dma2 semaphore(%run_scoped3A : memref<!tpu.dma_semaphore, #tpu.memory_space<semaphore_mem>>) src(%dma_wait3A_268 : memref<40x128xf32, #tpu.memory_space<vmem>>) dst(%dma_wait3A_265 : memref<40x128xf32, #tpu.memory_space<vmem_shared>>)
        tpu.yield
      }) : () -> ()
      %add3A_225 = arith.constant 160 : i32
      %add3A_226 = arith.addi %multiple_of3A_8, %add3A_225 : i32
      "tpu.region"() ({
        %run_scoped3A = tpu.sem_alloc : memref<!tpu.dma_semaphore, #tpu.memory_space<semaphore_mem>>
        %dma_start3A_249 = arith.constant 0 : i32
        %dma_start3A_250 = arith.constant 0 : i32
        %dma_start3A_251 = tpu.memref_slice %arg9[%dma_start3A_249, %dma_start3A_250] : memref<40x128xf32, #tpu.memory_space<vmem>> -> memref<40x128xf32, #tpu.memory_space<vmem>>
        %dma_start3A_252 = arith.constant 0 : i32
        %dma_start3A_253 = tpu.memref_slice %arg15[%add3A_226, %dma_start3A_252] : memref<10000x128xf32, #tpu.memory_space<vmem_shared>> -> memref<40x128xf32, #tpu.memory_space<vmem_shared>>
        %dma_start3A_254 = arith.constant 0 : i32
        %dma_start3A_255 = tpu.memref_slice %arg15[%add3A_226, %dma_start3A_254] : memref<10000x128xf32, #tpu.memory_space<vmem_shared>> -> memref<40x128xf32, #tpu.memory_space<vmem_shared>>
        %dma_start3A_256 = arith.constant 0 : i32
        %dma_start3A_257 = arith.constant 0 : i32
        %dma_start3A_258 = tpu.memref_slice %arg9[%dma_start3A_256, %dma_start3A_257] : memref<40x128xf32, #tpu.memory_space<vmem>> -> memref<40x128xf32, #tpu.memory_space<vmem>>
        tpu.enqueue_dma source(%dma_start3A_258 : memref<40x128xf32, #tpu.memory_space<vmem>>) target(%dma_start3A_255 : memref<40x128xf32, #tpu.memory_space<vmem_shared>>) target_semaphore(%run_scoped3A : memref<!tpu.dma_semaphore, #tpu.memory_space<semaphore_mem>>)
        %dma_wait3A_259 = arith.constant 0 : i32
        %dma_wait3A_260 = arith.constant 0 : i32
        %dma_wait3A_261 = tpu.memref_slice %arg9[%dma_wait3A_259, %dma_wait3A_260] : memref<40x128xf32, #tpu.memory_space<vmem>> -> memref<40x128xf32, #tpu.memory_space<vmem>>
        %dma_wait3A_262 = arith.constant 0 : i32
        %dma_wait3A_263 = tpu.memref_slice %arg15[%add3A_226, %dma_wait3A_262] : memref<10000x128xf32, #tpu.memory_space<vmem_shared>> -> memref<40x128xf32, #tpu.memory_space<vmem_shared>>
        %dma_wait3A_264 = arith.constant 0 : i32
        %dma_wait3A_265 = tpu.memref_slice %arg15[%add3A_226, %dma_wait3A_264] : memref<10000x128xf32, #tpu.memory_space<vmem_shared>> -> memref<40x128xf32, #tpu.memory_space<vmem_shared>>
        %dma_wait3A_266 = arith.constant 0 : i32
        %dma_wait3A_267 = arith.constant 0 : i32
        %dma_wait3A_268 = tpu.memref_slice %arg9[%dma_wait3A_266, %dma_wait3A_267] : memref<40x128xf32, #tpu.memory_space<vmem>> -> memref<40x128xf32, #tpu.memory_space<vmem>>
        tpu.wait_dma2 semaphore(%run_scoped3A : memref<!tpu.dma_semaphore, #tpu.memory_space<semaphore_mem>>) src(%dma_wait3A_268 : memref<40x128xf32, #tpu.memory_space<vmem>>) dst(%dma_wait3A_265 : memref<40x128xf32, #tpu.memory_space<vmem_shared>>)
        tpu.yield
      }) : () -> ()
      %add3A_227 = arith.constant 200 : i32
      %add3A_228 = arith.addi %multiple_of3A_8, %add3A_227 : i32
      "tpu.region"() ({
        %run_scoped3A = tpu.sem_alloc : memref<!tpu.dma_semaphore, #tpu.memory_space<semaphore_mem>>
        %dma_start3A_249 = arith.constant 0 : i32
        %dma_start3A_250 = arith.constant 0 : i32
        %dma_start3A_251 = tpu.memref_slice %arg9[%dma_start3A_249, %dma_start3A_250] : memref<40x128xf32, #tpu.memory_space<vmem>> -> memref<40x128xf32, #tpu.memory_space<vmem>>
        %dma_start3A_252 = arith.constant 0 : i32
        %dma_start3A_253 = tpu.memref_slice %arg15[%add3A_228, %dma_start3A_252] : memref<10000x128xf32, #tpu.memory_space<vmem_shared>> -> memref<40x128xf32, #tpu.memory_space<vmem_shared>>
        %dma_start3A_254 = arith.constant 0 : i32
        %dma_start3A_255 = tpu.memref_slice %arg15[%add3A_228, %dma_start3A_254] : memref<10000x128xf32, #tpu.memory_space<vmem_shared>> -> memref<40x128xf32, #tpu.memory_space<vmem_shared>>
        %dma_start3A_256 = arith.constant 0 : i32
        %dma_start3A_257 = arith.constant 0 : i32
        %dma_start3A_258 = tpu.memref_slice %arg9[%dma_start3A_256, %dma_start3A_257] : memref<40x128xf32, #tpu.memory_space<vmem>> -> memref<40x128xf32, #tpu.memory_space<vmem>>
        tpu.enqueue_dma source(%dma_start3A_258 : memref<40x128xf32, #tpu.memory_space<vmem>>) target(%dma_start3A_255 : memref<40x128xf32, #tpu.memory_space<vmem_shared>>) target_semaphore(%run_scoped3A : memref<!tpu.dma_semaphore, #tpu.memory_space<semaphore_mem>>)
        %dma_wait3A_259 = arith.constant 0 : i32
        %dma_wait3A_260 = arith.constant 0 : i32
        %dma_wait3A_261 = tpu.memref_slice %arg9[%dma_wait3A_259, %dma_wait3A_260] : memref<40x128xf32, #tpu.memory_space<vmem>> -> memref<40x128xf32, #tpu.memory_space<vmem>>
        %dma_wait3A_262 = arith.constant 0 : i32
        %dma_wait3A_263 = tpu.memref_slice %arg15[%add3A_228, %dma_wait3A_262] : memref<10000x128xf32, #tpu.memory_space<vmem_shared>> -> memref<40x128xf32, #tpu.memory_space<vmem_shared>>
        %dma_wait3A_264 = arith.constant 0 : i32
        %dma_wait3A_265 = tpu.memref_slice %arg15[%add3A_228, %dma_wait3A_264] : memref<10000x128xf32, #tpu.memory_space<vmem_shared>> -> memref<40x128xf32, #tpu.memory_space<vmem_shared>>
        %dma_wait3A_266 = arith.constant 0 : i32
        %dma_wait3A_267 = arith.constant 0 : i32
        %dma_wait3A_268 = tpu.memref_slice %arg9[%dma_wait3A_266, %dma_wait3A_267] : memref<40x128xf32, #tpu.memory_space<vmem>> -> memref<40x128xf32, #tpu.memory_space<vmem>>
        tpu.wait_dma2 semaphore(%run_scoped3A : memref<!tpu.dma_semaphore, #tpu.memory_space<semaphore_mem>>) src(%dma_wait3A_268 : memref<40x128xf32, #tpu.memory_space<vmem>>) dst(%dma_wait3A_265 : memref<40x128xf32, #tpu.memory_space<vmem_shared>>)
        tpu.yield
      }) : () -> ()
      %add3A_229 = arith.constant 240 : i32
      %add3A_230 = arith.addi %multiple_of3A_8, %add3A_229 : i32
      "tpu.region"() ({
        %run_scoped3A = tpu.sem_alloc : memref<!tpu.dma_semaphore, #tpu.memory_space<semaphore_mem>>
        %dma_start3A_249 = arith.constant 0 : i32
        %dma_start3A_250 = arith.constant 0 : i32
        %dma_start3A_251 = tpu.memref_slice %arg9[%dma_start3A_249, %dma_start3A_250] : memref<40x128xf32, #tpu.memory_space<vmem>> -> memref<40x128xf32, #tpu.memory_space<vmem>>
        %dma_start3A_252 = arith.constant 0 : i32
        %dma_start3A_253 = tpu.memref_slice %arg15[%add3A_230, %dma_start3A_252] : memref<10000x128xf32, #tpu.memory_space<vmem_shared>> -> memref<40x128xf32, #tpu.memory_space<vmem_shared>>
        %dma_start3A_254 = arith.constant 0 : i32
        %dma_start3A_255 = tpu.memref_slice %arg15[%add3A_230, %dma_start3A_254] : memref<10000x128xf32, #tpu.memory_space<vmem_shared>> -> memref<40x128xf32, #tpu.memory_space<vmem_shared>>
        %dma_start3A_256 = arith.constant 0 : i32
        %dma_start3A_257 = arith.constant 0 : i32
        %dma_start3A_258 = tpu.memref_slice %arg9[%dma_start3A_256, %dma_start3A_257] : memref<40x128xf32, #tpu.memory_space<vmem>> -> memref<40x128xf32, #tpu.memory_space<vmem>>
        tpu.enqueue_dma source(%dma_start3A_258 : memref<40x128xf32, #tpu.memory_space<vmem>>) target(%dma_start3A_255 : memref<40x128xf32, #tpu.memory_space<vmem_shared>>) target_semaphore(%run_scoped3A : memref<!tpu.dma_semaphore, #tpu.memory_space<semaphore_mem>>)
        %dma_wait3A_259 = arith.constant 0 : i32
        %dma_wait3A_260 = arith.constant 0 : i32
        %dma_wait3A_261 = tpu.memref_slice %arg9[%dma_wait3A_259, %dma_wait3A_260] : memref<40x128xf32, #tpu.memory_space<vmem>> -> memref<40x128xf32, #tpu.memory_space<vmem>>
        %dma_wait3A_262 = arith.constant 0 : i32
        %dma_wait3A_263 = tpu.memref_slice %arg15[%add3A_230, %dma_wait3A_262] : memref<10000x128xf32, #tpu.memory_space<vmem_shared>> -> memref<40x128xf32, #tpu.memory_space<vmem_shared>>
        %dma_wait3A_264 = arith.constant 0 : i32
        %dma_wait3A_265 = tpu.memref_slice %arg15[%add3A_230, %dma_wait3A_264] : memref<10000x128xf32, #tpu.memory_space<vmem_shared>> -> memref<40x128xf32, #tpu.memory_space<vmem_shared>>
        %dma_wait3A_266 = arith.constant 0 : i32
        %dma_wait3A_267 = arith.constant 0 : i32
        %dma_wait3A_268 = tpu.memref_slice %arg9[%dma_wait3A_266, %dma_wait3A_267] : memref<40x128xf32, #tpu.memory_space<vmem>> -> memref<40x128xf32, #tpu.memory_space<vmem>>
        tpu.wait_dma2 semaphore(%run_scoped3A : memref<!tpu.dma_semaphore, #tpu.memory_space<semaphore_mem>>) src(%dma_wait3A_268 : memref<40x128xf32, #tpu.memory_space<vmem>>) dst(%dma_wait3A_265 : memref<40x128xf32, #tpu.memory_space<vmem_shared>>)
        tpu.yield
      }) : () -> ()
      %add3A_231 = arith.constant 280 : i32
      %add3A_232 = arith.addi %multiple_of3A_8, %add3A_231 : i32
      "tpu.region"() ({
        %run_scoped3A = tpu.sem_alloc : memref<!tpu.dma_semaphore, #tpu.memory_space<semaphore_mem>>
        %dma_start3A_249 = arith.constant 0 : i32
        %dma_start3A_250 = arith.constant 0 : i32
        %dma_start3A_251 = tpu.memref_slice %arg9[%dma_start3A_249, %dma_start3A_250] : memref<40x128xf32, #tpu.memory_space<vmem>> -> memref<40x128xf32, #tpu.memory_space<vmem>>
        %dma_start3A_252 = arith.constant 0 : i32
        %dma_start3A_253 = tpu.memref_slice %arg15[%add3A_232, %dma_start3A_252] : memref<10000x128xf32, #tpu.memory_space<vmem_shared>> -> memref<40x128xf32, #tpu.memory_space<vmem_shared>>
        %dma_start3A_254 = arith.constant 0 : i32
        %dma_start3A_255 = tpu.memref_slice %arg15[%add3A_232, %dma_start3A_254] : memref<10000x128xf32, #tpu.memory_space<vmem_shared>> -> memref<40x128xf32, #tpu.memory_space<vmem_shared>>
        %dma_start3A_256 = arith.constant 0 : i32
        %dma_start3A_257 = arith.constant 0 : i32
        %dma_start3A_258 = tpu.memref_slice %arg9[%dma_start3A_256, %dma_start3A_257] : memref<40x128xf32, #tpu.memory_space<vmem>> -> memref<40x128xf32, #tpu.memory_space<vmem>>
        tpu.enqueue_dma source(%dma_start3A_258 : memref<40x128xf32, #tpu.memory_space<vmem>>) target(%dma_start3A_255 : memref<40x128xf32, #tpu.memory_space<vmem_shared>>) target_semaphore(%run_scoped3A : memref<!tpu.dma_semaphore, #tpu.memory_space<semaphore_mem>>)
        %dma_wait3A_259 = arith.constant 0 : i32
        %dma_wait3A_260 = arith.constant 0 : i32
        %dma_wait3A_261 = tpu.memref_slice %arg9[%dma_wait3A_259, %dma_wait3A_260] : memref<40x128xf32, #tpu.memory_space<vmem>> -> memref<40x128xf32, #tpu.memory_space<vmem>>
        %dma_wait3A_262 = arith.constant 0 : i32
        %dma_wait3A_263 = tpu.memref_slice %arg15[%add3A_232, %dma_wait3A_262] : memref<10000x128xf32, #tpu.memory_space<vmem_shared>> -> memref<40x128xf32, #tpu.memory_space<vmem_shared>>
        %dma_wait3A_264 = arith.constant 0 : i32
        %dma_wait3A_265 = tpu.memref_slice %arg15[%add3A_232, %dma_wait3A_264] : memref<10000x128xf32, #tpu.memory_space<vmem_shared>> -> memref<40x128xf32, #tpu.memory_space<vmem_shared>>
        %dma_wait3A_266 = arith.constant 0 : i32
        %dma_wait3A_267 = arith.constant 0 : i32
        %dma_wait3A_268 = tpu.memref_slice %arg9[%dma_wait3A_266, %dma_wait3A_267] : memref<40x128xf32, #tpu.memory_space<vmem>> -> memref<40x128xf32, #tpu.memory_space<vmem>>
        tpu.wait_dma2 semaphore(%run_scoped3A : memref<!tpu.dma_semaphore, #tpu.memory_space<semaphore_mem>>) src(%dma_wait3A_268 : memref<40x128xf32, #tpu.memory_space<vmem>>) dst(%dma_wait3A_265 : memref<40x128xf32, #tpu.memory_space<vmem_shared>>)
        tpu.yield
      }) : () -> ()
      %add3A_233 = arith.constant 320 : i32
      %add3A_234 = arith.addi %multiple_of3A_8, %add3A_233 : i32
      "tpu.region"() ({
        %run_scoped3A = tpu.sem_alloc : memref<!tpu.dma_semaphore, #tpu.memory_space<semaphore_mem>>
        %dma_start3A_249 = arith.constant 0 : i32
        %dma_start3A_250 = arith.constant 0 : i32
        %dma_start3A_251 = tpu.memref_slice %arg9[%dma_start3A_249, %dma_start3A_250] : memref<40x128xf32, #tpu.memory_space<vmem>> -> memref<40x128xf32, #tpu.memory_space<vmem>>
        %dma_start3A_252 = arith.constant 0 : i32
        %dma_start3A_253 = tpu.memref_slice %arg15[%add3A_234, %dma_start3A_252] : memref<10000x128xf32, #tpu.memory_space<vmem_shared>> -> memref<40x128xf32, #tpu.memory_space<vmem_shared>>
        %dma_start3A_254 = arith.constant 0 : i32
        %dma_start3A_255 = tpu.memref_slice %arg15[%add3A_234, %dma_start3A_254] : memref<10000x128xf32, #tpu.memory_space<vmem_shared>> -> memref<40x128xf32, #tpu.memory_space<vmem_shared>>
        %dma_start3A_256 = arith.constant 0 : i32
        %dma_start3A_257 = arith.constant 0 : i32
        %dma_start3A_258 = tpu.memref_slice %arg9[%dma_start3A_256, %dma_start3A_257] : memref<40x128xf32, #tpu.memory_space<vmem>> -> memref<40x128xf32, #tpu.memory_space<vmem>>
        tpu.enqueue_dma source(%dma_start3A_258 : memref<40x128xf32, #tpu.memory_space<vmem>>) target(%dma_start3A_255 : memref<40x128xf32, #tpu.memory_space<vmem_shared>>) target_semaphore(%run_scoped3A : memref<!tpu.dma_semaphore, #tpu.memory_space<semaphore_mem>>)
        %dma_wait3A_259 = arith.constant 0 : i32
        %dma_wait3A_260 = arith.constant 0 : i32
        %dma_wait3A_261 = tpu.memref_slice %arg9[%dma_wait3A_259, %dma_wait3A_260] : memref<40x128xf32, #tpu.memory_space<vmem>> -> memref<40x128xf32, #tpu.memory_space<vmem>>
        %dma_wait3A_262 = arith.constant 0 : i32
        %dma_wait3A_263 = tpu.memref_slice %arg15[%add3A_234, %dma_wait3A_262] : memref<10000x128xf32, #tpu.memory_space<vmem_shared>> -> memref<40x128xf32, #tpu.memory_space<vmem_shared>>
        %dma_wait3A_264 = arith.constant 0 : i32
        %dma_wait3A_265 = tpu.memref_slice %arg15[%add3A_234, %dma_wait3A_264] : memref<10000x128xf32, #tpu.memory_space<vmem_shared>> -> memref<40x128xf32, #tpu.memory_space<vmem_shared>>
        %dma_wait3A_266 = arith.constant 0 : i32
        %dma_wait3A_267 = arith.constant 0 : i32
        %dma_wait3A_268 = tpu.memref_slice %arg9[%dma_wait3A_266, %dma_wait3A_267] : memref<40x128xf32, #tpu.memory_space<vmem>> -> memref<40x128xf32, #tpu.memory_space<vmem>>
        tpu.wait_dma2 semaphore(%run_scoped3A : memref<!tpu.dma_semaphore, #tpu.memory_space<semaphore_mem>>) src(%dma_wait3A_268 : memref<40x128xf32, #tpu.memory_space<vmem>>) dst(%dma_wait3A_265 : memref<40x128xf32, #tpu.memory_space<vmem_shared>>)
        tpu.yield
      }) : () -> ()
      %add3A_235 = arith.constant 360 : i32
      %add3A_236 = arith.addi %multiple_of3A_8, %add3A_235 : i32
      "tpu.region"() ({
        %run_scoped3A = tpu.sem_alloc : memref<!tpu.dma_semaphore, #tpu.memory_space<semaphore_mem>>
        %dma_start3A_249 = arith.constant 0 : i32
        %dma_start3A_250 = arith.constant 0 : i32
        %dma_start3A_251 = tpu.memref_slice %arg9[%dma_start3A_249, %dma_start3A_250] : memref<40x128xf32, #tpu.memory_space<vmem>> -> memref<40x128xf32, #tpu.memory_space<vmem>>
        %dma_start3A_252 = arith.constant 0 : i32
        %dma_start3A_253 = tpu.memref_slice %arg15[%add3A_236, %dma_start3A_252] : memref<10000x128xf32, #tpu.memory_space<vmem_shared>> -> memref<40x128xf32, #tpu.memory_space<vmem_shared>>
        %dma_start3A_254 = arith.constant 0 : i32
        %dma_start3A_255 = tpu.memref_slice %arg15[%add3A_236, %dma_start3A_254] : memref<10000x128xf32, #tpu.memory_space<vmem_shared>> -> memref<40x128xf32, #tpu.memory_space<vmem_shared>>
        %dma_start3A_256 = arith.constant 0 : i32
        %dma_start3A_257 = arith.constant 0 : i32
        %dma_start3A_258 = tpu.memref_slice %arg9[%dma_start3A_256, %dma_start3A_257] : memref<40x128xf32, #tpu.memory_space<vmem>> -> memref<40x128xf32, #tpu.memory_space<vmem>>
        tpu.enqueue_dma source(%dma_start3A_258 : memref<40x128xf32, #tpu.memory_space<vmem>>) target(%dma_start3A_255 : memref<40x128xf32, #tpu.memory_space<vmem_shared>>) target_semaphore(%run_scoped3A : memref<!tpu.dma_semaphore, #tpu.memory_space<semaphore_mem>>)
        %dma_wait3A_259 = arith.constant 0 : i32
        %dma_wait3A_260 = arith.constant 0 : i32
        %dma_wait3A_261 = tpu.memref_slice %arg9[%dma_wait3A_259, %dma_wait3A_260] : memref<40x128xf32, #tpu.memory_space<vmem>> -> memref<40x128xf32, #tpu.memory_space<vmem>>
        %dma_wait3A_262 = arith.constant 0 : i32
        %dma_wait3A_263 = tpu.memref_slice %arg15[%add3A_236, %dma_wait3A_262] : memref<10000x128xf32, #tpu.memory_space<vmem_shared>> -> memref<40x128xf32, #tpu.memory_space<vmem_shared>>
        %dma_wait3A_264 = arith.constant 0 : i32
        %dma_wait3A_265 = tpu.memref_slice %arg15[%add3A_236, %dma_wait3A_264] : memref<10000x128xf32, #tpu.memory_space<vmem_shared>> -> memref<40x128xf32, #tpu.memory_space<vmem_shared>>
        %dma_wait3A_266 = arith.constant 0 : i32
        %dma_wait3A_267 = arith.constant 0 : i32
        %dma_wait3A_268 = tpu.memref_slice %arg9[%dma_wait3A_266, %dma_wait3A_267] : memref<40x128xf32, #tpu.memory_space<vmem>> -> memref<40x128xf32, #tpu.memory_space<vmem>>
        tpu.wait_dma2 semaphore(%run_scoped3A : memref<!tpu.dma_semaphore, #tpu.memory_space<semaphore_mem>>) src(%dma_wait3A_268 : memref<40x128xf32, #tpu.memory_space<vmem>>) dst(%dma_wait3A_265 : memref<40x128xf32, #tpu.memory_space<vmem_shared>>)
        tpu.yield
      }) : () -> ()
      %add3A_237 = arith.constant 400 : i32
      %add3A_238 = arith.addi %multiple_of3A_8, %add3A_237 : i32
      "tpu.region"() ({
        %run_scoped3A = tpu.sem_alloc : memref<!tpu.dma_semaphore, #tpu.memory_space<semaphore_mem>>
        %dma_start3A_249 = arith.constant 0 : i32
        %dma_start3A_250 = arith.constant 0 : i32
        %dma_start3A_251 = tpu.memref_slice %arg9[%dma_start3A_249, %dma_start3A_250] : memref<40x128xf32, #tpu.memory_space<vmem>> -> memref<40x128xf32, #tpu.memory_space<vmem>>
        %dma_start3A_252 = arith.constant 0 : i32
        %dma_start3A_253 = tpu.memref_slice %arg15[%add3A_238, %dma_start3A_252] : memref<10000x128xf32, #tpu.memory_space<vmem_shared>> -> memref<40x128xf32, #tpu.memory_space<vmem_shared>>
        %dma_start3A_254 = arith.constant 0 : i32
        %dma_start3A_255 = tpu.memref_slice %arg15[%add3A_238, %dma_start3A_254] : memref<10000x128xf32, #tpu.memory_space<vmem_shared>> -> memref<40x128xf32, #tpu.memory_space<vmem_shared>>
        %dma_start3A_256 = arith.constant 0 : i32
        %dma_start3A_257 = arith.constant 0 : i32
        %dma_start3A_258 = tpu.memref_slice %arg9[%dma_start3A_256, %dma_start3A_257] : memref<40x128xf32, #tpu.memory_space<vmem>> -> memref<40x128xf32, #tpu.memory_space<vmem>>
        tpu.enqueue_dma source(%dma_start3A_258 : memref<40x128xf32, #tpu.memory_space<vmem>>) target(%dma_start3A_255 : memref<40x128xf32, #tpu.memory_space<vmem_shared>>) target_semaphore(%run_scoped3A : memref<!tpu.dma_semaphore, #tpu.memory_space<semaphore_mem>>)
        %dma_wait3A_259 = arith.constant 0 : i32
        %dma_wait3A_260 = arith.constant 0 : i32
        %dma_wait3A_261 = tpu.memref_slice %arg9[%dma_wait3A_259, %dma_wait3A_260] : memref<40x128xf32, #tpu.memory_space<vmem>> -> memref<40x128xf32, #tpu.memory_space<vmem>>
        %dma_wait3A_262 = arith.constant 0 : i32
        %dma_wait3A_263 = tpu.memref_slice %arg15[%add3A_238, %dma_wait3A_262] : memref<10000x128xf32, #tpu.memory_space<vmem_shared>> -> memref<40x128xf32, #tpu.memory_space<vmem_shared>>
        %dma_wait3A_264 = arith.constant 0 : i32
        %dma_wait3A_265 = tpu.memref_slice %arg15[%add3A_238, %dma_wait3A_264] : memref<10000x128xf32, #tpu.memory_space<vmem_shared>> -> memref<40x128xf32, #tpu.memory_space<vmem_shared>>
        %dma_wait3A_266 = arith.constant 0 : i32
        %dma_wait3A_267 = arith.constant 0 : i32
        %dma_wait3A_268 = tpu.memref_slice %arg9[%dma_wait3A_266, %dma_wait3A_267] : memref<40x128xf32, #tpu.memory_space<vmem>> -> memref<40x128xf32, #tpu.memory_space<vmem>>
        tpu.wait_dma2 semaphore(%run_scoped3A : memref<!tpu.dma_semaphore, #tpu.memory_space<semaphore_mem>>) src(%dma_wait3A_268 : memref<40x128xf32, #tpu.memory_space<vmem>>) dst(%dma_wait3A_265 : memref<40x128xf32, #tpu.memory_space<vmem_shared>>)
        tpu.yield
      }) : () -> ()
      %add3A_239 = arith.constant 440 : i32
      %add3A_240 = arith.addi %multiple_of3A_8, %add3A_239 : i32
      "tpu.region"() ({
        %run_scoped3A = tpu.sem_alloc : memref<!tpu.dma_semaphore, #tpu.memory_space<semaphore_mem>>
        %dma_start3A_249 = arith.constant 0 : i32
        %dma_start3A_250 = arith.constant 0 : i32
        %dma_start3A_251 = tpu.memref_slice %arg9[%dma_start3A_249, %dma_start3A_250] : memref<40x128xf32, #tpu.memory_space<vmem>> -> memref<40x128xf32, #tpu.memory_space<vmem>>
        %dma_start3A_252 = arith.constant 0 : i32
        %dma_start3A_253 = tpu.memref_slice %arg15[%add3A_240, %dma_start3A_252] : memref<10000x128xf32, #tpu.memory_space<vmem_shared>> -> memref<40x128xf32, #tpu.memory_space<vmem_shared>>
        %dma_start3A_254 = arith.constant 0 : i32
        %dma_start3A_255 = tpu.memref_slice %arg15[%add3A_240, %dma_start3A_254] : memref<10000x128xf32, #tpu.memory_space<vmem_shared>> -> memref<40x128xf32, #tpu.memory_space<vmem_shared>>
        %dma_start3A_256 = arith.constant 0 : i32
        %dma_start3A_257 = arith.constant 0 : i32
        %dma_start3A_258 = tpu.memref_slice %arg9[%dma_start3A_256, %dma_start3A_257] : memref<40x128xf32, #tpu.memory_space<vmem>> -> memref<40x128xf32, #tpu.memory_space<vmem>>
        tpu.enqueue_dma source(%dma_start3A_258 : memref<40x128xf32, #tpu.memory_space<vmem>>) target(%dma_start3A_255 : memref<40x128xf32, #tpu.memory_space<vmem_shared>>) target_semaphore(%run_scoped3A : memref<!tpu.dma_semaphore, #tpu.memory_space<semaphore_mem>>)
        %dma_wait3A_259 = arith.constant 0 : i32
        %dma_wait3A_260 = arith.constant 0 : i32
        %dma_wait3A_261 = tpu.memref_slice %arg9[%dma_wait3A_259, %dma_wait3A_260] : memref<40x128xf32, #tpu.memory_space<vmem>> -> memref<40x128xf32, #tpu.memory_space<vmem>>
        %dma_wait3A_262 = arith.constant 0 : i32
        %dma_wait3A_263 = tpu.memref_slice %arg15[%add3A_240, %dma_wait3A_262] : memref<10000x128xf32, #tpu.memory_space<vmem_shared>> -> memref<40x128xf32, #tpu.memory_space<vmem_shared>>
        %dma_wait3A_264 = arith.constant 0 : i32
        %dma_wait3A_265 = tpu.memref_slice %arg15[%add3A_240, %dma_wait3A_264] : memref<10000x128xf32, #tpu.memory_space<vmem_shared>> -> memref<40x128xf32, #tpu.memory_space<vmem_shared>>
        %dma_wait3A_266 = arith.constant 0 : i32
        %dma_wait3A_267 = arith.constant 0 : i32
        %dma_wait3A_268 = tpu.memref_slice %arg9[%dma_wait3A_266, %dma_wait3A_267] : memref<40x128xf32, #tpu.memory_space<vmem>> -> memref<40x128xf32, #tpu.memory_space<vmem>>
        tpu.wait_dma2 semaphore(%run_scoped3A : memref<!tpu.dma_semaphore, #tpu.memory_space<semaphore_mem>>) src(%dma_wait3A_268 : memref<40x128xf32, #tpu.memory_space<vmem>>) dst(%dma_wait3A_265 : memref<40x128xf32, #tpu.memory_space<vmem_shared>>)
        tpu.yield
      }) : () -> ()
      %add3A_241 = arith.constant 480 : i32
      %add3A_242 = arith.addi %multiple_of3A_8, %add3A_241 : i32
      "tpu.region"() ({
        %run_scoped3A = tpu.sem_alloc : memref<!tpu.dma_semaphore, #tpu.memory_space<semaphore_mem>>
        %dma_start3A_249 = arith.constant 0 : i32
        %dma_start3A_250 = arith.constant 0 : i32
        %dma_start3A_251 = tpu.memref_slice %arg9[%dma_start3A_249, %dma_start3A_250] : memref<40x128xf32, #tpu.memory_space<vmem>> -> memref<40x128xf32, #tpu.memory_space<vmem>>
        %dma_start3A_252 = arith.constant 0 : i32
        %dma_start3A_253 = tpu.memref_slice %arg15[%add3A_242, %dma_start3A_252] : memref<10000x128xf32, #tpu.memory_space<vmem_shared>> -> memref<40x128xf32, #tpu.memory_space<vmem_shared>>
        %dma_start3A_254 = arith.constant 0 : i32
        %dma_start3A_255 = tpu.memref_slice %arg15[%add3A_242, %dma_start3A_254] : memref<10000x128xf32, #tpu.memory_space<vmem_shared>> -> memref<40x128xf32, #tpu.memory_space<vmem_shared>>
        %dma_start3A_256 = arith.constant 0 : i32
        %dma_start3A_257 = arith.constant 0 : i32
        %dma_start3A_258 = tpu.memref_slice %arg9[%dma_start3A_256, %dma_start3A_257] : memref<40x128xf32, #tpu.memory_space<vmem>> -> memref<40x128xf32, #tpu.memory_space<vmem>>
        tpu.enqueue_dma source(%dma_start3A_258 : memref<40x128xf32, #tpu.memory_space<vmem>>) target(%dma_start3A_255 : memref<40x128xf32, #tpu.memory_space<vmem_shared>>) target_semaphore(%run_scoped3A : memref<!tpu.dma_semaphore, #tpu.memory_space<semaphore_mem>>)
        %dma_wait3A_259 = arith.constant 0 : i32
        %dma_wait3A_260 = arith.constant 0 : i32
        %dma_wait3A_261 = tpu.memref_slice %arg9[%dma_wait3A_259, %dma_wait3A_260] : memref<40x128xf32, #tpu.memory_space<vmem>> -> memref<40x128xf32, #tpu.memory_space<vmem>>
        %dma_wait3A_262 = arith.constant 0 : i32
        %dma_wait3A_263 = tpu.memref_slice %arg15[%add3A_242, %dma_wait3A_262] : memref<10000x128xf32, #tpu.memory_space<vmem_shared>> -> memref<40x128xf32, #tpu.memory_space<vmem_shared>>
        %dma_wait3A_264 = arith.constant 0 : i32
        %dma_wait3A_265 = tpu.memref_slice %arg15[%add3A_242, %dma_wait3A_264] : memref<10000x128xf32, #tpu.memory_space<vmem_shared>> -> memref<40x128xf32, #tpu.memory_space<vmem_shared>>
        %dma_wait3A_266 = arith.constant 0 : i32
        %dma_wait3A_267 = arith.constant 0 : i32
        %dma_wait3A_268 = tpu.memref_slice %arg9[%dma_wait3A_266, %dma_wait3A_267] : memref<40x128xf32, #tpu.memory_space<vmem>> -> memref<40x128xf32, #tpu.memory_space<vmem>>
        tpu.wait_dma2 semaphore(%run_scoped3A : memref<!tpu.dma_semaphore, #tpu.memory_space<semaphore_mem>>) src(%dma_wait3A_268 : memref<40x128xf32, #tpu.memory_space<vmem>>) dst(%dma_wait3A_265 : memref<40x128xf32, #tpu.memory_space<vmem_shared>>)
        tpu.yield
      }) : () -> ()
      %add3A_243 = arith.constant 520 : i32
      %add3A_244 = arith.addi %multiple_of3A_8, %add3A_243 : i32
      "tpu.region"() ({
        %run_scoped3A = tpu.sem_alloc : memref<!tpu.dma_semaphore, #tpu.memory_space<semaphore_mem>>
        %dma_start3A_249 = arith.constant 0 : i32
        %dma_start3A_250 = arith.constant 0 : i32
        %dma_start3A_251 = tpu.memref_slice %arg9[%dma_start3A_249, %dma_start3A_250] : memref<40x128xf32, #tpu.memory_space<vmem>> -> memref<40x128xf32, #tpu.memory_space<vmem>>
        %dma_start3A_252 = arith.constant 0 : i32
        %dma_start3A_253 = tpu.memref_slice %arg15[%add3A_244, %dma_start3A_252] : memref<10000x128xf32, #tpu.memory_space<vmem_shared>> -> memref<40x128xf32, #tpu.memory_space<vmem_shared>>
        %dma_start3A_254 = arith.constant 0 : i32
        %dma_start3A_255 = tpu.memref_slice %arg15[%add3A_244, %dma_start3A_254] : memref<10000x128xf32, #tpu.memory_space<vmem_shared>> -> memref<40x128xf32, #tpu.memory_space<vmem_shared>>
        %dma_start3A_256 = arith.constant 0 : i32
        %dma_start3A_257 = arith.constant 0 : i32
        %dma_start3A_258 = tpu.memref_slice %arg9[%dma_start3A_256, %dma_start3A_257] : memref<40x128xf32, #tpu.memory_space<vmem>> -> memref<40x128xf32, #tpu.memory_space<vmem>>
        tpu.enqueue_dma source(%dma_start3A_258 : memref<40x128xf32, #tpu.memory_space<vmem>>) target(%dma_start3A_255 : memref<40x128xf32, #tpu.memory_space<vmem_shared>>) target_semaphore(%run_scoped3A : memref<!tpu.dma_semaphore, #tpu.memory_space<semaphore_mem>>)
        %dma_wait3A_259 = arith.constant 0 : i32
        %dma_wait3A_260 = arith.constant 0 : i32
        %dma_wait3A_261 = tpu.memref_slice %arg9[%dma_wait3A_259, %dma_wait3A_260] : memref<40x128xf32, #tpu.memory_space<vmem>> -> memref<40x128xf32, #tpu.memory_space<vmem>>
        %dma_wait3A_262 = arith.constant 0 : i32
        %dma_wait3A_263 = tpu.memref_slice %arg15[%add3A_244, %dma_wait3A_262] : memref<10000x128xf32, #tpu.memory_space<vmem_shared>> -> memref<40x128xf32, #tpu.memory_space<vmem_shared>>
        %dma_wait3A_264 = arith.constant 0 : i32
        %dma_wait3A_265 = tpu.memref_slice %arg15[%add3A_244, %dma_wait3A_264] : memref<10000x128xf32, #tpu.memory_space<vmem_shared>> -> memref<40x128xf32, #tpu.memory_space<vmem_shared>>
        %dma_wait3A_266 = arith.constant 0 : i32
        %dma_wait3A_267 = arith.constant 0 : i32
        %dma_wait3A_268 = tpu.memref_slice %arg9[%dma_wait3A_266, %dma_wait3A_267] : memref<40x128xf32, #tpu.memory_space<vmem>> -> memref<40x128xf32, #tpu.memory_space<vmem>>
        tpu.wait_dma2 semaphore(%run_scoped3A : memref<!tpu.dma_semaphore, #tpu.memory_space<semaphore_mem>>) src(%dma_wait3A_268 : memref<40x128xf32, #tpu.memory_space<vmem>>) dst(%dma_wait3A_265 : memref<40x128xf32, #tpu.memory_space<vmem_shared>>)
        tpu.yield
      }) : () -> ()
      %add3A_245 = arith.constant 560 : i32
      %add3A_246 = arith.addi %multiple_of3A_8, %add3A_245 : i32
      "tpu.region"() ({
        %run_scoped3A = tpu.sem_alloc : memref<!tpu.dma_semaphore, #tpu.memory_space<semaphore_mem>>
        %dma_start3A_249 = arith.constant 0 : i32
        %dma_start3A_250 = arith.constant 0 : i32
        %dma_start3A_251 = tpu.memref_slice %arg9[%dma_start3A_249, %dma_start3A_250] : memref<40x128xf32, #tpu.memory_space<vmem>> -> memref<40x128xf32, #tpu.memory_space<vmem>>
        %dma_start3A_252 = arith.constant 0 : i32
        %dma_start3A_253 = tpu.memref_slice %arg15[%add3A_246, %dma_start3A_252] : memref<10000x128xf32, #tpu.memory_space<vmem_shared>> -> memref<40x128xf32, #tpu.memory_space<vmem_shared>>
        %dma_start3A_254 = arith.constant 0 : i32
        %dma_start3A_255 = tpu.memref_slice %arg15[%add3A_246, %dma_start3A_254] : memref<10000x128xf32, #tpu.memory_space<vmem_shared>> -> memref<40x128xf32, #tpu.memory_space<vmem_shared>>
        %dma_start3A_256 = arith.constant 0 : i32
        %dma_start3A_257 = arith.constant 0 : i32
        %dma_start3A_258 = tpu.memref_slice %arg9[%dma_start3A_256, %dma_start3A_257] : memref<40x128xf32, #tpu.memory_space<vmem>> -> memref<40x128xf32, #tpu.memory_space<vmem>>
        tpu.enqueue_dma source(%dma_start3A_258 : memref<40x128xf32, #tpu.memory_space<vmem>>) target(%dma_start3A_255 : memref<40x128xf32, #tpu.memory_space<vmem_shared>>) target_semaphore(%run_scoped3A : memref<!tpu.dma_semaphore, #tpu.memory_space<semaphore_mem>>)
        %dma_wait3A_259 = arith.constant 0 : i32
        %dma_wait3A_260 = arith.constant 0 : i32
        %dma_wait3A_261 = tpu.memref_slice %arg9[%dma_wait3A_259, %dma_wait3A_260] : memref<40x128xf32, #tpu.memory_space<vmem>> -> memref<40x128xf32, #tpu.memory_space<vmem>>
        %dma_wait3A_262 = arith.constant 0 : i32
        %dma_wait3A_263 = tpu.memref_slice %arg15[%add3A_246, %dma_wait3A_262] : memref<10000x128xf32, #tpu.memory_space<vmem_shared>> -> memref<40x128xf32, #tpu.memory_space<vmem_shared>>
        %dma_wait3A_264 = arith.constant 0 : i32
        %dma_wait3A_265 = tpu.memref_slice %arg15[%add3A_246, %dma_wait3A_264] : memref<10000x128xf32, #tpu.memory_space<vmem_shared>> -> memref<40x128xf32, #tpu.memory_space<vmem_shared>>
        %dma_wait3A_266 = arith.constant 0 : i32
        %dma_wait3A_267 = arith.constant 0 : i32
        %dma_wait3A_268 = tpu.memref_slice %arg9[%dma_wait3A_266, %dma_wait3A_267] : memref<40x128xf32, #tpu.memory_space<vmem>> -> memref<40x128xf32, #tpu.memory_space<vmem>>
        tpu.wait_dma2 semaphore(%run_scoped3A : memref<!tpu.dma_semaphore, #tpu.memory_space<semaphore_mem>>) src(%dma_wait3A_268 : memref<40x128xf32, #tpu.memory_space<vmem>>) dst(%dma_wait3A_265 : memref<40x128xf32, #tpu.memory_space<vmem_shared>>)
        tpu.yield
      }) : () -> ()
      %add3A_247 = arith.constant 600 : i32
      %add3A_248 = arith.addi %multiple_of3A_8, %add3A_247 : i32
      "tpu.region"() ({
        %run_scoped3A = tpu.sem_alloc : memref<!tpu.dma_semaphore, #tpu.memory_space<semaphore_mem>>
        %dma_start3A_249 = arith.constant 0 : i32
        %dma_start3A_250 = arith.constant 0 : i32
        %dma_start3A_251 = tpu.memref_slice %arg9[%dma_start3A_249, %dma_start3A_250] : memref<40x128xf32, #tpu.memory_space<vmem>> -> memref<32x128xf32, #tpu.memory_space<vmem>>
        %dma_start3A_252 = arith.constant 0 : i32
        %dma_start3A_253 = tpu.memref_slice %arg15[%add3A_248, %dma_start3A_252] : memref<10000x128xf32, #tpu.memory_space<vmem_shared>> -> memref<32x128xf32, #tpu.memory_space<vmem_shared>>
        %dma_start3A_254 = arith.constant 0 : i32
        %dma_start3A_255 = tpu.memref_slice %arg15[%add3A_248, %dma_start3A_254] : memref<10000x128xf32, #tpu.memory_space<vmem_shared>> -> memref<32x128xf32, #tpu.memory_space<vmem_shared>>
        %dma_start3A_256 = arith.constant 0 : i32
        %dma_start3A_257 = arith.constant 0 : i32
        %dma_start3A_258 = tpu.memref_slice %arg9[%dma_start3A_256, %dma_start3A_257] : memref<40x128xf32, #tpu.memory_space<vmem>> -> memref<32x128xf32, #tpu.memory_space<vmem>>
        tpu.enqueue_dma source(%dma_start3A_258 : memref<32x128xf32, #tpu.memory_space<vmem>>) target(%dma_start3A_255 : memref<32x128xf32, #tpu.memory_space<vmem_shared>>) target_semaphore(%run_scoped3A : memref<!tpu.dma_semaphore, #tpu.memory_space<semaphore_mem>>)
        %dma_wait3A_259 = arith.constant 0 : i32
        %dma_wait3A_260 = arith.constant 0 : i32
        %dma_wait3A_261 = tpu.memref_slice %arg9[%dma_wait3A_259, %dma_wait3A_260] : memref<40x128xf32, #tpu.memory_space<vmem>> -> memref<32x128xf32, #tpu.memory_space<vmem>>
        %dma_wait3A_262 = arith.constant 0 : i32
        %dma_wait3A_263 = tpu.memref_slice %arg15[%add3A_248, %dma_wait3A_262] : memref<10000x128xf32, #tpu.memory_space<vmem_shared>> -> memref<32x128xf32, #tpu.memory_space<vmem_shared>>
        %dma_wait3A_264 = arith.constant 0 : i32
        %dma_wait3A_265 = tpu.memref_slice %arg15[%add3A_248, %dma_wait3A_264] : memref<10000x128xf32, #tpu.memory_space<vmem_shared>> -> memref<32x128xf32, #tpu.memory_space<vmem_shared>>
        %dma_wait3A_266 = arith.constant 0 : i32
        %dma_wait3A_267 = arith.constant 0 : i32
        %dma_wait3A_268 = tpu.memref_slice %arg9[%dma_wait3A_266, %dma_wait3A_267] : memref<40x128xf32, #tpu.memory_space<vmem>> -> memref<32x128xf32, #tpu.memory_space<vmem>>
        tpu.wait_dma2 semaphore(%run_scoped3A : memref<!tpu.dma_semaphore, #tpu.memory_space<semaphore_mem>>) src(%dma_wait3A_268 : memref<32x128xf32, #tpu.memory_space<vmem>>) dst(%dma_wait3A_265 : memref<32x128xf32, #tpu.memory_space<vmem_shared>>)
        tpu.yield
      }) : () -> ()
    } else {
    }
    %eq3A = arith.constant 15 : i32
    %eq3A_17 = arith.cmpi eq, %arg1, %eq3A : i32
    %convert_element_type3A_18 = arith.extui %eq3A_17 : i1 to i32
    %cond3A_19 = arith.constant 0 : i32
    %cond3A_20 = arith.cmpi ne, %convert_element_type3A_18, %cond3A_19 : i32
    scf.if %cond3A_20 {
      "tpu.region"() ({
        %run_scoped3A = tpu.sem_alloc : memref<!tpu.dma_semaphore, #tpu.memory_space<semaphore_mem>>
        %dma_start3A_217 = arith.constant 0 : i32
        %dma_start3A_218 = arith.constant 0 : i32
        %dma_start3A_219 = tpu.memref_slice %arg9[%dma_start3A_217, %dma_start3A_218] : memref<40x128xf32, #tpu.memory_space<vmem>> -> memref<40x128xf32, #tpu.memory_space<vmem>>
        %dma_start3A_220 = arith.constant 9480 : i32
        %dma_start3A_221 = arith.constant 0 : i32
        %dma_start3A_222 = tpu.memref_slice %arg15[%dma_start3A_220, %dma_start3A_221] : memref<10000x128xf32, #tpu.memory_space<vmem_shared>> -> memref<40x128xf32, #tpu.memory_space<vmem_shared>>
        %dma_start3A_223 = arith.constant 9480 : i32
        %dma_start3A_224 = arith.constant 0 : i32
        %dma_start3A_225 = tpu.memref_slice %arg15[%dma_start3A_223, %dma_start3A_224] : memref<10000x128xf32, #tpu.memory_space<vmem_shared>> -> memref<40x128xf32, #tpu.memory_space<vmem_shared>>
        %dma_start3A_226 = arith.constant 0 : i32
        %dma_start3A_227 = arith.constant 0 : i32
        %dma_start3A_228 = tpu.memref_slice %arg9[%dma_start3A_226, %dma_start3A_227] : memref<40x128xf32, #tpu.memory_space<vmem>> -> memref<40x128xf32, #tpu.memory_space<vmem>>
        tpu.enqueue_dma source(%dma_start3A_228 : memref<40x128xf32, #tpu.memory_space<vmem>>) target(%dma_start3A_225 : memref<40x128xf32, #tpu.memory_space<vmem_shared>>) target_semaphore(%run_scoped3A : memref<!tpu.dma_semaphore, #tpu.memory_space<semaphore_mem>>)
        %dma_wait3A_229 = arith.constant 0 : i32
        %dma_wait3A_230 = arith.constant 0 : i32
        %dma_wait3A_231 = tpu.memref_slice %arg9[%dma_wait3A_229, %dma_wait3A_230] : memref<40x128xf32, #tpu.memory_space<vmem>> -> memref<40x128xf32, #tpu.memory_space<vmem>>
        %dma_wait3A_232 = arith.constant 9480 : i32
        %dma_wait3A_233 = arith.constant 0 : i32
        %dma_wait3A_234 = tpu.memref_slice %arg15[%dma_wait3A_232, %dma_wait3A_233] : memref<10000x128xf32, #tpu.memory_space<vmem_shared>> -> memref<40x128xf32, #tpu.memory_space<vmem_shared>>
        %dma_wait3A_235 = arith.constant 9480 : i32
        %dma_wait3A_236 = arith.constant 0 : i32
        %dma_wait3A_237 = tpu.memref_slice %arg15[%dma_wait3A_235, %dma_wait3A_236] : memref<10000x128xf32, #tpu.memory_space<vmem_shared>> -> memref<40x128xf32, #tpu.memory_space<vmem_shared>>
        %dma_wait3A_238 = arith.constant 0 : i32
        %dma_wait3A_239 = arith.constant 0 : i32
        %dma_wait3A_240 = tpu.memref_slice %arg9[%dma_wait3A_238, %dma_wait3A_239] : memref<40x128xf32, #tpu.memory_space<vmem>> -> memref<40x128xf32, #tpu.memory_space<vmem>>
        tpu.wait_dma2 semaphore(%run_scoped3A : memref<!tpu.dma_semaphore, #tpu.memory_space<semaphore_mem>>) src(%dma_wait3A_240 : memref<40x128xf32, #tpu.memory_space<vmem>>) dst(%dma_wait3A_237 : memref<40x128xf32, #tpu.memory_space<vmem_shared>>)
        tpu.yield
      }) : () -> ()
      "tpu.region"() ({
        %run_scoped3A = tpu.sem_alloc : memref<!tpu.dma_semaphore, #tpu.memory_space<semaphore_mem>>
        %dma_start3A_217 = arith.constant 0 : i32
        %dma_start3A_218 = arith.constant 0 : i32
        %dma_start3A_219 = tpu.memref_slice %arg9[%dma_start3A_217, %dma_start3A_218] : memref<40x128xf32, #tpu.memory_space<vmem>> -> memref<40x128xf32, #tpu.memory_space<vmem>>
        %dma_start3A_220 = arith.constant 9520 : i32
        %dma_start3A_221 = arith.constant 0 : i32
        %dma_start3A_222 = tpu.memref_slice %arg15[%dma_start3A_220, %dma_start3A_221] : memref<10000x128xf32, #tpu.memory_space<vmem_shared>> -> memref<40x128xf32, #tpu.memory_space<vmem_shared>>
        %dma_start3A_223 = arith.constant 9520 : i32
        %dma_start3A_224 = arith.constant 0 : i32
        %dma_start3A_225 = tpu.memref_slice %arg15[%dma_start3A_223, %dma_start3A_224] : memref<10000x128xf32, #tpu.memory_space<vmem_shared>> -> memref<40x128xf32, #tpu.memory_space<vmem_shared>>
        %dma_start3A_226 = arith.constant 0 : i32
        %dma_start3A_227 = arith.constant 0 : i32
        %dma_start3A_228 = tpu.memref_slice %arg9[%dma_start3A_226, %dma_start3A_227] : memref<40x128xf32, #tpu.memory_space<vmem>> -> memref<40x128xf32, #tpu.memory_space<vmem>>
        tpu.enqueue_dma source(%dma_start3A_228 : memref<40x128xf32, #tpu.memory_space<vmem>>) target(%dma_start3A_225 : memref<40x128xf32, #tpu.memory_space<vmem_shared>>) target_semaphore(%run_scoped3A : memref<!tpu.dma_semaphore, #tpu.memory_space<semaphore_mem>>)
        %dma_wait3A_229 = arith.constant 0 : i32
        %dma_wait3A_230 = arith.constant 0 : i32
        %dma_wait3A_231 = tpu.memref_slice %arg9[%dma_wait3A_229, %dma_wait3A_230] : memref<40x128xf32, #tpu.memory_space<vmem>> -> memref<40x128xf32, #tpu.memory_space<vmem>>
        %dma_wait3A_232 = arith.constant 9520 : i32
        %dma_wait3A_233 = arith.constant 0 : i32
        %dma_wait3A_234 = tpu.memref_slice %arg15[%dma_wait3A_232, %dma_wait3A_233] : memref<10000x128xf32, #tpu.memory_space<vmem_shared>> -> memref<40x128xf32, #tpu.memory_space<vmem_shared>>
        %dma_wait3A_235 = arith.constant 9520 : i32
        %dma_wait3A_236 = arith.constant 0 : i32
        %dma_wait3A_237 = tpu.memref_slice %arg15[%dma_wait3A_235, %dma_wait3A_236] : memref<10000x128xf32, #tpu.memory_space<vmem_shared>> -> memref<40x128xf32, #tpu.memory_space<vmem_shared>>
        %dma_wait3A_238 = arith.constant 0 : i32
        %dma_wait3A_239 = arith.constant 0 : i32
        %dma_wait3A_240 = tpu.memref_slice %arg9[%dma_wait3A_238, %dma_wait3A_239] : memref<40x128xf32, #tpu.memory_space<vmem>> -> memref<40x128xf32, #tpu.memory_space<vmem>>
        tpu.wait_dma2 semaphore(%run_scoped3A : memref<!tpu.dma_semaphore, #tpu.memory_space<semaphore_mem>>) src(%dma_wait3A_240 : memref<40x128xf32, #tpu.memory_space<vmem>>) dst(%dma_wait3A_237 : memref<40x128xf32, #tpu.memory_space<vmem_shared>>)
        tpu.yield
      }) : () -> ()
      "tpu.region"() ({
        %run_scoped3A = tpu.sem_alloc : memref<!tpu.dma_semaphore, #tpu.memory_space<semaphore_mem>>
        %dma_start3A_217 = arith.constant 0 : i32
        %dma_start3A_218 = arith.constant 0 : i32
        %dma_start3A_219 = tpu.memref_slice %arg9[%dma_start3A_217, %dma_start3A_218] : memref<40x128xf32, #tpu.memory_space<vmem>> -> memref<40x128xf32, #tpu.memory_space<vmem>>
        %dma_start3A_220 = arith.constant 9560 : i32
        %dma_start3A_221 = arith.constant 0 : i32
        %dma_start3A_222 = tpu.memref_slice %arg15[%dma_start3A_220, %dma_start3A_221] : memref<10000x128xf32, #tpu.memory_space<vmem_shared>> -> memref<40x128xf32, #tpu.memory_space<vmem_shared>>
        %dma_start3A_223 = arith.constant 9560 : i32
        %dma_start3A_224 = arith.constant 0 : i32
        %dma_start3A_225 = tpu.memref_slice %arg15[%dma_start3A_223, %dma_start3A_224] : memref<10000x128xf32, #tpu.memory_space<vmem_shared>> -> memref<40x128xf32, #tpu.memory_space<vmem_shared>>
        %dma_start3A_226 = arith.constant 0 : i32
        %dma_start3A_227 = arith.constant 0 : i32
        %dma_start3A_228 = tpu.memref_slice %arg9[%dma_start3A_226, %dma_start3A_227] : memref<40x128xf32, #tpu.memory_space<vmem>> -> memref<40x128xf32, #tpu.memory_space<vmem>>
        tpu.enqueue_dma source(%dma_start3A_228 : memref<40x128xf32, #tpu.memory_space<vmem>>) target(%dma_start3A_225 : memref<40x128xf32, #tpu.memory_space<vmem_shared>>) target_semaphore(%run_scoped3A : memref<!tpu.dma_semaphore, #tpu.memory_space<semaphore_mem>>)
        %dma_wait3A_229 = arith.constant 0 : i32
        %dma_wait3A_230 = arith.constant 0 : i32
        %dma_wait3A_231 = tpu.memref_slice %arg9[%dma_wait3A_229, %dma_wait3A_230] : memref<40x128xf32, #tpu.memory_space<vmem>> -> memref<40x128xf32, #tpu.memory_space<vmem>>
        %dma_wait3A_232 = arith.constant 9560 : i32
        %dma_wait3A_233 = arith.constant 0 : i32
        %dma_wait3A_234 = tpu.memref_slice %arg15[%dma_wait3A_232, %dma_wait3A_233] : memref<10000x128xf32, #tpu.memory_space<vmem_shared>> -> memref<40x128xf32, #tpu.memory_space<vmem_shared>>
        %dma_wait3A_235 = arith.constant 9560 : i32
        %dma_wait3A_236 = arith.constant 0 : i32
        %dma_wait3A_237 = tpu.memref_slice %arg15[%dma_wait3A_235, %dma_wait3A_236] : memref<10000x128xf32, #tpu.memory_space<vmem_shared>> -> memref<40x128xf32, #tpu.memory_space<vmem_shared>>
        %dma_wait3A_238 = arith.constant 0 : i32
        %dma_wait3A_239 = arith.constant 0 : i32
        %dma_wait3A_240 = tpu.memref_slice %arg9[%dma_wait3A_238, %dma_wait3A_239] : memref<40x128xf32, #tpu.memory_space<vmem>> -> memref<40x128xf32, #tpu.memory_space<vmem>>
        tpu.wait_dma2 semaphore(%run_scoped3A : memref<!tpu.dma_semaphore, #tpu.memory_space<semaphore_mem>>) src(%dma_wait3A_240 : memref<40x128xf32, #tpu.memory_space<vmem>>) dst(%dma_wait3A_237 : memref<40x128xf32, #tpu.memory_space<vmem_shared>>)
        tpu.yield
      }) : () -> ()
      "tpu.region"() ({
        %run_scoped3A = tpu.sem_alloc : memref<!tpu.dma_semaphore, #tpu.memory_space<semaphore_mem>>
        %dma_start3A_217 = arith.constant 0 : i32
        %dma_start3A_218 = arith.constant 0 : i32
        %dma_start3A_219 = tpu.memref_slice %arg9[%dma_start3A_217, %dma_start3A_218] : memref<40x128xf32, #tpu.memory_space<vmem>> -> memref<40x128xf32, #tpu.memory_space<vmem>>
        %dma_start3A_220 = arith.constant 9600 : i32
        %dma_start3A_221 = arith.constant 0 : i32
        %dma_start3A_222 = tpu.memref_slice %arg15[%dma_start3A_220, %dma_start3A_221] : memref<10000x128xf32, #tpu.memory_space<vmem_shared>> -> memref<40x128xf32, #tpu.memory_space<vmem_shared>>
        %dma_start3A_223 = arith.constant 9600 : i32
        %dma_start3A_224 = arith.constant 0 : i32
        %dma_start3A_225 = tpu.memref_slice %arg15[%dma_start3A_223, %dma_start3A_224] : memref<10000x128xf32, #tpu.memory_space<vmem_shared>> -> memref<40x128xf32, #tpu.memory_space<vmem_shared>>
        %dma_start3A_226 = arith.constant 0 : i32
        %dma_start3A_227 = arith.constant 0 : i32
        %dma_start3A_228 = tpu.memref_slice %arg9[%dma_start3A_226, %dma_start3A_227] : memref<40x128xf32, #tpu.memory_space<vmem>> -> memref<40x128xf32, #tpu.memory_space<vmem>>
        tpu.enqueue_dma source(%dma_start3A_228 : memref<40x128xf32, #tpu.memory_space<vmem>>) target(%dma_start3A_225 : memref<40x128xf32, #tpu.memory_space<vmem_shared>>) target_semaphore(%run_scoped3A : memref<!tpu.dma_semaphore, #tpu.memory_space<semaphore_mem>>)
        %dma_wait3A_229 = arith.constant 0 : i32
        %dma_wait3A_230 = arith.constant 0 : i32
        %dma_wait3A_231 = tpu.memref_slice %arg9[%dma_wait3A_229, %dma_wait3A_230] : memref<40x128xf32, #tpu.memory_space<vmem>> -> memref<40x128xf32, #tpu.memory_space<vmem>>
        %dma_wait3A_232 = arith.constant 9600 : i32
        %dma_wait3A_233 = arith.constant 0 : i32
        %dma_wait3A_234 = tpu.memref_slice %arg15[%dma_wait3A_232, %dma_wait3A_233] : memref<10000x128xf32, #tpu.memory_space<vmem_shared>> -> memref<40x128xf32, #tpu.memory_space<vmem_shared>>
        %dma_wait3A_235 = arith.constant 9600 : i32
        %dma_wait3A_236 = arith.constant 0 : i32
        %dma_wait3A_237 = tpu.memref_slice %arg15[%dma_wait3A_235, %dma_wait3A_236] : memref<10000x128xf32, #tpu.memory_space<vmem_shared>> -> memref<40x128xf32, #tpu.memory_space<vmem_shared>>
        %dma_wait3A_238 = arith.constant 0 : i32
        %dma_wait3A_239 = arith.constant 0 : i32
        %dma_wait3A_240 = tpu.memref_slice %arg9[%dma_wait3A_238, %dma_wait3A_239] : memref<40x128xf32, #tpu.memory_space<vmem>> -> memref<40x128xf32, #tpu.memory_space<vmem>>
        tpu.wait_dma2 semaphore(%run_scoped3A : memref<!tpu.dma_semaphore, #tpu.memory_space<semaphore_mem>>) src(%dma_wait3A_240 : memref<40x128xf32, #tpu.memory_space<vmem>>) dst(%dma_wait3A_237 : memref<40x128xf32, #tpu.memory_space<vmem_shared>>)
        tpu.yield
      }) : () -> ()
      "tpu.region"() ({
        %run_scoped3A = tpu.sem_alloc : memref<!tpu.dma_semaphore, #tpu.memory_space<semaphore_mem>>
        %dma_start3A_217 = arith.constant 0 : i32
        %dma_start3A_218 = arith.constant 0 : i32
        %dma_start3A_219 = tpu.memref_slice %arg9[%dma_start3A_217, %dma_start3A_218] : memref<40x128xf32, #tpu.memory_space<vmem>> -> memref<40x128xf32, #tpu.memory_space<vmem>>
        %dma_start3A_220 = arith.constant 9640 : i32
        %dma_start3A_221 = arith.constant 0 : i32
        %dma_start3A_222 = tpu.memref_slice %arg15[%dma_start3A_220, %dma_start3A_221] : memref<10000x128xf32, #tpu.memory_space<vmem_shared>> -> memref<40x128xf32, #tpu.memory_space<vmem_shared>>
        %dma_start3A_223 = arith.constant 9640 : i32
        %dma_start3A_224 = arith.constant 0 : i32
        %dma_start3A_225 = tpu.memref_slice %arg15[%dma_start3A_223, %dma_start3A_224] : memref<10000x128xf32, #tpu.memory_space<vmem_shared>> -> memref<40x128xf32, #tpu.memory_space<vmem_shared>>
        %dma_start3A_226 = arith.constant 0 : i32
        %dma_start3A_227 = arith.constant 0 : i32
        %dma_start3A_228 = tpu.memref_slice %arg9[%dma_start3A_226, %dma_start3A_227] : memref<40x128xf32, #tpu.memory_space<vmem>> -> memref<40x128xf32, #tpu.memory_space<vmem>>
        tpu.enqueue_dma source(%dma_start3A_228 : memref<40x128xf32, #tpu.memory_space<vmem>>) target(%dma_start3A_225 : memref<40x128xf32, #tpu.memory_space<vmem_shared>>) target_semaphore(%run_scoped3A : memref<!tpu.dma_semaphore, #tpu.memory_space<semaphore_mem>>)
        %dma_wait3A_229 = arith.constant 0 : i32
        %dma_wait3A_230 = arith.constant 0 : i32
        %dma_wait3A_231 = tpu.memref_slice %arg9[%dma_wait3A_229, %dma_wait3A_230] : memref<40x128xf32, #tpu.memory_space<vmem>> -> memref<40x128xf32, #tpu.memory_space<vmem>>
        %dma_wait3A_232 = arith.constant 9640 : i32
        %dma_wait3A_233 = arith.constant 0 : i32
        %dma_wait3A_234 = tpu.memref_slice %arg15[%dma_wait3A_232, %dma_wait3A_233] : memref<10000x128xf32, #tpu.memory_space<vmem_shared>> -> memref<40x128xf32, #tpu.memory_space<vmem_shared>>
        %dma_wait3A_235 = arith.constant 9640 : i32
        %dma_wait3A_236 = arith.constant 0 : i32
        %dma_wait3A_237 = tpu.memref_slice %arg15[%dma_wait3A_235, %dma_wait3A_236] : memref<10000x128xf32, #tpu.memory_space<vmem_shared>> -> memref<40x128xf32, #tpu.memory_space<vmem_shared>>
        %dma_wait3A_238 = arith.constant 0 : i32
        %dma_wait3A_239 = arith.constant 0 : i32
        %dma_wait3A_240 = tpu.memref_slice %arg9[%dma_wait3A_238, %dma_wait3A_239] : memref<40x128xf32, #tpu.memory_space<vmem>> -> memref<40x128xf32, #tpu.memory_space<vmem>>
        tpu.wait_dma2 semaphore(%run_scoped3A : memref<!tpu.dma_semaphore, #tpu.memory_space<semaphore_mem>>) src(%dma_wait3A_240 : memref<40x128xf32, #tpu.memory_space<vmem>>) dst(%dma_wait3A_237 : memref<40x128xf32, #tpu.memory_space<vmem_shared>>)
        tpu.yield
      }) : () -> ()
      "tpu.region"() ({
        %run_scoped3A = tpu.sem_alloc : memref<!tpu.dma_semaphore, #tpu.memory_space<semaphore_mem>>
        %dma_start3A_217 = arith.constant 0 : i32
        %dma_start3A_218 = arith.constant 0 : i32
        %dma_start3A_219 = tpu.memref_slice %arg9[%dma_start3A_217, %dma_start3A_218] : memref<40x128xf32, #tpu.memory_space<vmem>> -> memref<40x128xf32, #tpu.memory_space<vmem>>
        %dma_start3A_220 = arith.constant 9680 : i32
        %dma_start3A_221 = arith.constant 0 : i32
        %dma_start3A_222 = tpu.memref_slice %arg15[%dma_start3A_220, %dma_start3A_221] : memref<10000x128xf32, #tpu.memory_space<vmem_shared>> -> memref<40x128xf32, #tpu.memory_space<vmem_shared>>
        %dma_start3A_223 = arith.constant 9680 : i32
        %dma_start3A_224 = arith.constant 0 : i32
        %dma_start3A_225 = tpu.memref_slice %arg15[%dma_start3A_223, %dma_start3A_224] : memref<10000x128xf32, #tpu.memory_space<vmem_shared>> -> memref<40x128xf32, #tpu.memory_space<vmem_shared>>
        %dma_start3A_226 = arith.constant 0 : i32
        %dma_start3A_227 = arith.constant 0 : i32
        %dma_start3A_228 = tpu.memref_slice %arg9[%dma_start3A_226, %dma_start3A_227] : memref<40x128xf32, #tpu.memory_space<vmem>> -> memref<40x128xf32, #tpu.memory_space<vmem>>
        tpu.enqueue_dma source(%dma_start3A_228 : memref<40x128xf32, #tpu.memory_space<vmem>>) target(%dma_start3A_225 : memref<40x128xf32, #tpu.memory_space<vmem_shared>>) target_semaphore(%run_scoped3A : memref<!tpu.dma_semaphore, #tpu.memory_space<semaphore_mem>>)
        %dma_wait3A_229 = arith.constant 0 : i32
        %dma_wait3A_230 = arith.constant 0 : i32
        %dma_wait3A_231 = tpu.memref_slice %arg9[%dma_wait3A_229, %dma_wait3A_230] : memref<40x128xf32, #tpu.memory_space<vmem>> -> memref<40x128xf32, #tpu.memory_space<vmem>>
        %dma_wait3A_232 = arith.constant 9680 : i32
        %dma_wait3A_233 = arith.constant 0 : i32
        %dma_wait3A_234 = tpu.memref_slice %arg15[%dma_wait3A_232, %dma_wait3A_233] : memref<10000x128xf32, #tpu.memory_space<vmem_shared>> -> memref<40x128xf32, #tpu.memory_space<vmem_shared>>
        %dma_wait3A_235 = arith.constant 9680 : i32
        %dma_wait3A_236 = arith.constant 0 : i32
        %dma_wait3A_237 = tpu.memref_slice %arg15[%dma_wait3A_235, %dma_wait3A_236] : memref<10000x128xf32, #tpu.memory_space<vmem_shared>> -> memref<40x128xf32, #tpu.memory_space<vmem_shared>>
        %dma_wait3A_238 = arith.constant 0 : i32
        %dma_wait3A_239 = arith.constant 0 : i32
        %dma_wait3A_240 = tpu.memref_slice %arg9[%dma_wait3A_238, %dma_wait3A_239] : memref<40x128xf32, #tpu.memory_space<vmem>> -> memref<40x128xf32, #tpu.memory_space<vmem>>
        tpu.wait_dma2 semaphore(%run_scoped3A : memref<!tpu.dma_semaphore, #tpu.memory_space<semaphore_mem>>) src(%dma_wait3A_240 : memref<40x128xf32, #tpu.memory_space<vmem>>) dst(%dma_wait3A_237 : memref<40x128xf32, #tpu.memory_space<vmem_shared>>)
        tpu.yield
      }) : () -> ()
      "tpu.region"() ({
        %run_scoped3A = tpu.sem_alloc : memref<!tpu.dma_semaphore, #tpu.memory_space<semaphore_mem>>
        %dma_start3A_217 = arith.constant 0 : i32
        %dma_start3A_218 = arith.constant 0 : i32
        %dma_start3A_219 = tpu.memref_slice %arg9[%dma_start3A_217, %dma_start3A_218] : memref<40x128xf32, #tpu.memory_space<vmem>> -> memref<40x128xf32, #tpu.memory_space<vmem>>
        %dma_start3A_220 = arith.constant 9720 : i32
        %dma_start3A_221 = arith.constant 0 : i32
        %dma_start3A_222 = tpu.memref_slice %arg15[%dma_start3A_220, %dma_start3A_221] : memref<10000x128xf32, #tpu.memory_space<vmem_shared>> -> memref<40x128xf32, #tpu.memory_space<vmem_shared>>
        %dma_start3A_223 = arith.constant 9720 : i32
        %dma_start3A_224 = arith.constant 0 : i32
        %dma_start3A_225 = tpu.memref_slice %arg15[%dma_start3A_223, %dma_start3A_224] : memref<10000x128xf32, #tpu.memory_space<vmem_shared>> -> memref<40x128xf32, #tpu.memory_space<vmem_shared>>
        %dma_start3A_226 = arith.constant 0 : i32
        %dma_start3A_227 = arith.constant 0 : i32
        %dma_start3A_228 = tpu.memref_slice %arg9[%dma_start3A_226, %dma_start3A_227] : memref<40x128xf32, #tpu.memory_space<vmem>> -> memref<40x128xf32, #tpu.memory_space<vmem>>
        tpu.enqueue_dma source(%dma_start3A_228 : memref<40x128xf32, #tpu.memory_space<vmem>>) target(%dma_start3A_225 : memref<40x128xf32, #tpu.memory_space<vmem_shared>>) target_semaphore(%run_scoped3A : memref<!tpu.dma_semaphore, #tpu.memory_space<semaphore_mem>>)
        %dma_wait3A_229 = arith.constant 0 : i32
        %dma_wait3A_230 = arith.constant 0 : i32
        %dma_wait3A_231 = tpu.memref_slice %arg9[%dma_wait3A_229, %dma_wait3A_230] : memref<40x128xf32, #tpu.memory_space<vmem>> -> memref<40x128xf32, #tpu.memory_space<vmem>>
        %dma_wait3A_232 = arith.constant 9720 : i32
        %dma_wait3A_233 = arith.constant 0 : i32
        %dma_wait3A_234 = tpu.memref_slice %arg15[%dma_wait3A_232, %dma_wait3A_233] : memref<10000x128xf32, #tpu.memory_space<vmem_shared>> -> memref<40x128xf32, #tpu.memory_space<vmem_shared>>
        %dma_wait3A_235 = arith.constant 9720 : i32
        %dma_wait3A_236 = arith.constant 0 : i32
        %dma_wait3A_237 = tpu.memref_slice %arg15[%dma_wait3A_235, %dma_wait3A_236] : memref<10000x128xf32, #tpu.memory_space<vmem_shared>> -> memref<40x128xf32, #tpu.memory_space<vmem_shared>>
        %dma_wait3A_238 = arith.constant 0 : i32
        %dma_wait3A_239 = arith.constant 0 : i32
        %dma_wait3A_240 = tpu.memref_slice %arg9[%dma_wait3A_238, %dma_wait3A_239] : memref<40x128xf32, #tpu.memory_space<vmem>> -> memref<40x128xf32, #tpu.memory_space<vmem>>
        tpu.wait_dma2 semaphore(%run_scoped3A : memref<!tpu.dma_semaphore, #tpu.memory_space<semaphore_mem>>) src(%dma_wait3A_240 : memref<40x128xf32, #tpu.memory_space<vmem>>) dst(%dma_wait3A_237 : memref<40x128xf32, #tpu.memory_space<vmem_shared>>)
        tpu.yield
      }) : () -> ()
      "tpu.region"() ({
        %run_scoped3A = tpu.sem_alloc : memref<!tpu.dma_semaphore, #tpu.memory_space<semaphore_mem>>
        %dma_start3A_217 = arith.constant 0 : i32
        %dma_start3A_218 = arith.constant 0 : i32
        %dma_start3A_219 = tpu.memref_slice %arg9[%dma_start3A_217, %dma_start3A_218] : memref<40x128xf32, #tpu.memory_space<vmem>> -> memref<40x128xf32, #tpu.memory_space<vmem>>
        %dma_start3A_220 = arith.constant 9760 : i32
        %dma_start3A_221 = arith.constant 0 : i32
        %dma_start3A_222 = tpu.memref_slice %arg15[%dma_start3A_220, %dma_start3A_221] : memref<10000x128xf32, #tpu.memory_space<vmem_shared>> -> memref<40x128xf32, #tpu.memory_space<vmem_shared>>
        %dma_start3A_223 = arith.constant 9760 : i32
        %dma_start3A_224 = arith.constant 0 : i32
        %dma_start3A_225 = tpu.memref_slice %arg15[%dma_start3A_223, %dma_start3A_224] : memref<10000x128xf32, #tpu.memory_space<vmem_shared>> -> memref<40x128xf32, #tpu.memory_space<vmem_shared>>
        %dma_start3A_226 = arith.constant 0 : i32
        %dma_start3A_227 = arith.constant 0 : i32
        %dma_start3A_228 = tpu.memref_slice %arg9[%dma_start3A_226, %dma_start3A_227] : memref<40x128xf32, #tpu.memory_space<vmem>> -> memref<40x128xf32, #tpu.memory_space<vmem>>
        tpu.enqueue_dma source(%dma_start3A_228 : memref<40x128xf32, #tpu.memory_space<vmem>>) target(%dma_start3A_225 : memref<40x128xf32, #tpu.memory_space<vmem_shared>>) target_semaphore(%run_scoped3A : memref<!tpu.dma_semaphore, #tpu.memory_space<semaphore_mem>>)
        %dma_wait3A_229 = arith.constant 0 : i32
        %dma_wait3A_230 = arith.constant 0 : i32
        %dma_wait3A_231 = tpu.memref_slice %arg9[%dma_wait3A_229, %dma_wait3A_230] : memref<40x128xf32, #tpu.memory_space<vmem>> -> memref<40x128xf32, #tpu.memory_space<vmem>>
        %dma_wait3A_232 = arith.constant 9760 : i32
        %dma_wait3A_233 = arith.constant 0 : i32
        %dma_wait3A_234 = tpu.memref_slice %arg15[%dma_wait3A_232, %dma_wait3A_233] : memref<10000x128xf32, #tpu.memory_space<vmem_shared>> -> memref<40x128xf32, #tpu.memory_space<vmem_shared>>
        %dma_wait3A_235 = arith.constant 9760 : i32
        %dma_wait3A_236 = arith.constant 0 : i32
        %dma_wait3A_237 = tpu.memref_slice %arg15[%dma_wait3A_235, %dma_wait3A_236] : memref<10000x128xf32, #tpu.memory_space<vmem_shared>> -> memref<40x128xf32, #tpu.memory_space<vmem_shared>>
        %dma_wait3A_238 = arith.constant 0 : i32
        %dma_wait3A_239 = arith.constant 0 : i32
        %dma_wait3A_240 = tpu.memref_slice %arg9[%dma_wait3A_238, %dma_wait3A_239] : memref<40x128xf32, #tpu.memory_space<vmem>> -> memref<40x128xf32, #tpu.memory_space<vmem>>
        tpu.wait_dma2 semaphore(%run_scoped3A : memref<!tpu.dma_semaphore, #tpu.memory_space<semaphore_mem>>) src(%dma_wait3A_240 : memref<40x128xf32, #tpu.memory_space<vmem>>) dst(%dma_wait3A_237 : memref<40x128xf32, #tpu.memory_space<vmem_shared>>)
        tpu.yield
      }) : () -> ()
      "tpu.region"() ({
        %run_scoped3A = tpu.sem_alloc : memref<!tpu.dma_semaphore, #tpu.memory_space<semaphore_mem>>
        %dma_start3A_217 = arith.constant 0 : i32
        %dma_start3A_218 = arith.constant 0 : i32
        %dma_start3A_219 = tpu.memref_slice %arg9[%dma_start3A_217, %dma_start3A_218] : memref<40x128xf32, #tpu.memory_space<vmem>> -> memref<40x128xf32, #tpu.memory_space<vmem>>
        %dma_start3A_220 = arith.constant 9800 : i32
        %dma_start3A_221 = arith.constant 0 : i32
        %dma_start3A_222 = tpu.memref_slice %arg15[%dma_start3A_220, %dma_start3A_221] : memref<10000x128xf32, #tpu.memory_space<vmem_shared>> -> memref<40x128xf32, #tpu.memory_space<vmem_shared>>
        %dma_start3A_223 = arith.constant 9800 : i32
        %dma_start3A_224 = arith.constant 0 : i32
        %dma_start3A_225 = tpu.memref_slice %arg15[%dma_start3A_223, %dma_start3A_224] : memref<10000x128xf32, #tpu.memory_space<vmem_shared>> -> memref<40x128xf32, #tpu.memory_space<vmem_shared>>
        %dma_start3A_226 = arith.constant 0 : i32
        %dma_start3A_227 = arith.constant 0 : i32
        %dma_start3A_228 = tpu.memref_slice %arg9[%dma_start3A_226, %dma_start3A_227] : memref<40x128xf32, #tpu.memory_space<vmem>> -> memref<40x128xf32, #tpu.memory_space<vmem>>
        tpu.enqueue_dma source(%dma_start3A_228 : memref<40x128xf32, #tpu.memory_space<vmem>>) target(%dma_start3A_225 : memref<40x128xf32, #tpu.memory_space<vmem_shared>>) target_semaphore(%run_scoped3A : memref<!tpu.dma_semaphore, #tpu.memory_space<semaphore_mem>>)
        %dma_wait3A_229 = arith.constant 0 : i32
        %dma_wait3A_230 = arith.constant 0 : i32
        %dma_wait3A_231 = tpu.memref_slice %arg9[%dma_wait3A_229, %dma_wait3A_230] : memref<40x128xf32, #tpu.memory_space<vmem>> -> memref<40x128xf32, #tpu.memory_space<vmem>>
        %dma_wait3A_232 = arith.constant 9800 : i32
        %dma_wait3A_233 = arith.constant 0 : i32
        %dma_wait3A_234 = tpu.memref_slice %arg15[%dma_wait3A_232, %dma_wait3A_233] : memref<10000x128xf32, #tpu.memory_space<vmem_shared>> -> memref<40x128xf32, #tpu.memory_space<vmem_shared>>
        %dma_wait3A_235 = arith.constant 9800 : i32
        %dma_wait3A_236 = arith.constant 0 : i32
        %dma_wait3A_237 = tpu.memref_slice %arg15[%dma_wait3A_235, %dma_wait3A_236] : memref<10000x128xf32, #tpu.memory_space<vmem_shared>> -> memref<40x128xf32, #tpu.memory_space<vmem_shared>>
        %dma_wait3A_238 = arith.constant 0 : i32
        %dma_wait3A_239 = arith.constant 0 : i32
        %dma_wait3A_240 = tpu.memref_slice %arg9[%dma_wait3A_238, %dma_wait3A_239] : memref<40x128xf32, #tpu.memory_space<vmem>> -> memref<40x128xf32, #tpu.memory_space<vmem>>
        tpu.wait_dma2 semaphore(%run_scoped3A : memref<!tpu.dma_semaphore, #tpu.memory_space<semaphore_mem>>) src(%dma_wait3A_240 : memref<40x128xf32, #tpu.memory_space<vmem>>) dst(%dma_wait3A_237 : memref<40x128xf32, #tpu.memory_space<vmem_shared>>)
        tpu.yield
      }) : () -> ()
      "tpu.region"() ({
        %run_scoped3A = tpu.sem_alloc : memref<!tpu.dma_semaphore, #tpu.memory_space<semaphore_mem>>
        %dma_start3A_217 = arith.constant 0 : i32
        %dma_start3A_218 = arith.constant 0 : i32
        %dma_start3A_219 = tpu.memref_slice %arg9[%dma_start3A_217, %dma_start3A_218] : memref<40x128xf32, #tpu.memory_space<vmem>> -> memref<40x128xf32, #tpu.memory_space<vmem>>
        %dma_start3A_220 = arith.constant 9840 : i32
        %dma_start3A_221 = arith.constant 0 : i32
        %dma_start3A_222 = tpu.memref_slice %arg15[%dma_start3A_220, %dma_start3A_221] : memref<10000x128xf32, #tpu.memory_space<vmem_shared>> -> memref<40x128xf32, #tpu.memory_space<vmem_shared>>
        %dma_start3A_223 = arith.constant 9840 : i32
        %dma_start3A_224 = arith.constant 0 : i32
        %dma_start3A_225 = tpu.memref_slice %arg15[%dma_start3A_223, %dma_start3A_224] : memref<10000x128xf32, #tpu.memory_space<vmem_shared>> -> memref<40x128xf32, #tpu.memory_space<vmem_shared>>
        %dma_start3A_226 = arith.constant 0 : i32
        %dma_start3A_227 = arith.constant 0 : i32
        %dma_start3A_228 = tpu.memref_slice %arg9[%dma_start3A_226, %dma_start3A_227] : memref<40x128xf32, #tpu.memory_space<vmem>> -> memref<40x128xf32, #tpu.memory_space<vmem>>
        tpu.enqueue_dma source(%dma_start3A_228 : memref<40x128xf32, #tpu.memory_space<vmem>>) target(%dma_start3A_225 : memref<40x128xf32, #tpu.memory_space<vmem_shared>>) target_semaphore(%run_scoped3A : memref<!tpu.dma_semaphore, #tpu.memory_space<semaphore_mem>>)
        %dma_wait3A_229 = arith.constant 0 : i32
        %dma_wait3A_230 = arith.constant 0 : i32
        %dma_wait3A_231 = tpu.memref_slice %arg9[%dma_wait3A_229, %dma_wait3A_230] : memref<40x128xf32, #tpu.memory_space<vmem>> -> memref<40x128xf32, #tpu.memory_space<vmem>>
        %dma_wait3A_232 = arith.constant 9840 : i32
        %dma_wait3A_233 = arith.constant 0 : i32
        %dma_wait3A_234 = tpu.memref_slice %arg15[%dma_wait3A_232, %dma_wait3A_233] : memref<10000x128xf32, #tpu.memory_space<vmem_shared>> -> memref<40x128xf32, #tpu.memory_space<vmem_shared>>
        %dma_wait3A_235 = arith.constant 9840 : i32
        %dma_wait3A_236 = arith.constant 0 : i32
        %dma_wait3A_237 = tpu.memref_slice %arg15[%dma_wait3A_235, %dma_wait3A_236] : memref<10000x128xf32, #tpu.memory_space<vmem_shared>> -> memref<40x128xf32, #tpu.memory_space<vmem_shared>>
        %dma_wait3A_238 = arith.constant 0 : i32
        %dma_wait3A_239 = arith.constant 0 : i32
        %dma_wait3A_240 = tpu.memref_slice %arg9[%dma_wait3A_238, %dma_wait3A_239] : memref<40x128xf32, #tpu.memory_space<vmem>> -> memref<40x128xf32, #tpu.memory_space<vmem>>
        tpu.wait_dma2 semaphore(%run_scoped3A : memref<!tpu.dma_semaphore, #tpu.memory_space<semaphore_mem>>) src(%dma_wait3A_240 : memref<40x128xf32, #tpu.memory_space<vmem>>) dst(%dma_wait3A_237 : memref<40x128xf32, #tpu.memory_space<vmem_shared>>)
        tpu.yield
      }) : () -> ()
      "tpu.region"() ({
        %run_scoped3A = tpu.sem_alloc : memref<!tpu.dma_semaphore, #tpu.memory_space<semaphore_mem>>
        %dma_start3A_217 = arith.constant 0 : i32
        %dma_start3A_218 = arith.constant 0 : i32
        %dma_start3A_219 = tpu.memref_slice %arg9[%dma_start3A_217, %dma_start3A_218] : memref<40x128xf32, #tpu.memory_space<vmem>> -> memref<40x128xf32, #tpu.memory_space<vmem>>
        %dma_start3A_220 = arith.constant 9880 : i32
        %dma_start3A_221 = arith.constant 0 : i32
        %dma_start3A_222 = tpu.memref_slice %arg15[%dma_start3A_220, %dma_start3A_221] : memref<10000x128xf32, #tpu.memory_space<vmem_shared>> -> memref<40x128xf32, #tpu.memory_space<vmem_shared>>
        %dma_start3A_223 = arith.constant 9880 : i32
        %dma_start3A_224 = arith.constant 0 : i32
        %dma_start3A_225 = tpu.memref_slice %arg15[%dma_start3A_223, %dma_start3A_224] : memref<10000x128xf32, #tpu.memory_space<vmem_shared>> -> memref<40x128xf32, #tpu.memory_space<vmem_shared>>
        %dma_start3A_226 = arith.constant 0 : i32
        %dma_start3A_227 = arith.constant 0 : i32
        %dma_start3A_228 = tpu.memref_slice %arg9[%dma_start3A_226, %dma_start3A_227] : memref<40x128xf32, #tpu.memory_space<vmem>> -> memref<40x128xf32, #tpu.memory_space<vmem>>
        tpu.enqueue_dma source(%dma_start3A_228 : memref<40x128xf32, #tpu.memory_space<vmem>>) target(%dma_start3A_225 : memref<40x128xf32, #tpu.memory_space<vmem_shared>>) target_semaphore(%run_scoped3A : memref<!tpu.dma_semaphore, #tpu.memory_space<semaphore_mem>>)
        %dma_wait3A_229 = arith.constant 0 : i32
        %dma_wait3A_230 = arith.constant 0 : i32
        %dma_wait3A_231 = tpu.memref_slice %arg9[%dma_wait3A_229, %dma_wait3A_230] : memref<40x128xf32, #tpu.memory_space<vmem>> -> memref<40x128xf32, #tpu.memory_space<vmem>>
        %dma_wait3A_232 = arith.constant 9880 : i32
        %dma_wait3A_233 = arith.constant 0 : i32
        %dma_wait3A_234 = tpu.memref_slice %arg15[%dma_wait3A_232, %dma_wait3A_233] : memref<10000x128xf32, #tpu.memory_space<vmem_shared>> -> memref<40x128xf32, #tpu.memory_space<vmem_shared>>
        %dma_wait3A_235 = arith.constant 9880 : i32
        %dma_wait3A_236 = arith.constant 0 : i32
        %dma_wait3A_237 = tpu.memref_slice %arg15[%dma_wait3A_235, %dma_wait3A_236] : memref<10000x128xf32, #tpu.memory_space<vmem_shared>> -> memref<40x128xf32, #tpu.memory_space<vmem_shared>>
        %dma_wait3A_238 = arith.constant 0 : i32
        %dma_wait3A_239 = arith.constant 0 : i32
        %dma_wait3A_240 = tpu.memref_slice %arg9[%dma_wait3A_238, %dma_wait3A_239] : memref<40x128xf32, #tpu.memory_space<vmem>> -> memref<40x128xf32, #tpu.memory_space<vmem>>
        tpu.wait_dma2 semaphore(%run_scoped3A : memref<!tpu.dma_semaphore, #tpu.memory_space<semaphore_mem>>) src(%dma_wait3A_240 : memref<40x128xf32, #tpu.memory_space<vmem>>) dst(%dma_wait3A_237 : memref<40x128xf32, #tpu.memory_space<vmem_shared>>)
        tpu.yield
      }) : () -> ()
      "tpu.region"() ({
        %run_scoped3A = tpu.sem_alloc : memref<!tpu.dma_semaphore, #tpu.memory_space<semaphore_mem>>
        %dma_start3A_217 = arith.constant 0 : i32
        %dma_start3A_218 = arith.constant 0 : i32
        %dma_start3A_219 = tpu.memref_slice %arg9[%dma_start3A_217, %dma_start3A_218] : memref<40x128xf32, #tpu.memory_space<vmem>> -> memref<40x128xf32, #tpu.memory_space<vmem>>
        %dma_start3A_220 = arith.constant 9920 : i32
        %dma_start3A_221 = arith.constant 0 : i32
        %dma_start3A_222 = tpu.memref_slice %arg15[%dma_start3A_220, %dma_start3A_221] : memref<10000x128xf32, #tpu.memory_space<vmem_shared>> -> memref<40x128xf32, #tpu.memory_space<vmem_shared>>
        %dma_start3A_223 = arith.constant 9920 : i32
        %dma_start3A_224 = arith.constant 0 : i32
        %dma_start3A_225 = tpu.memref_slice %arg15[%dma_start3A_223, %dma_start3A_224] : memref<10000x128xf32, #tpu.memory_space<vmem_shared>> -> memref<40x128xf32, #tpu.memory_space<vmem_shared>>
        %dma_start3A_226 = arith.constant 0 : i32
        %dma_start3A_227 = arith.constant 0 : i32
        %dma_start3A_228 = tpu.memref_slice %arg9[%dma_start3A_226, %dma_start3A_227] : memref<40x128xf32, #tpu.memory_space<vmem>> -> memref<40x128xf32, #tpu.memory_space<vmem>>
        tpu.enqueue_dma source(%dma_start3A_228 : memref<40x128xf32, #tpu.memory_space<vmem>>) target(%dma_start3A_225 : memref<40x128xf32, #tpu.memory_space<vmem_shared>>) target_semaphore(%run_scoped3A : memref<!tpu.dma_semaphore, #tpu.memory_space<semaphore_mem>>)
        %dma_wait3A_229 = arith.constant 0 : i32
        %dma_wait3A_230 = arith.constant 0 : i32
        %dma_wait3A_231 = tpu.memref_slice %arg9[%dma_wait3A_229, %dma_wait3A_230] : memref<40x128xf32, #tpu.memory_space<vmem>> -> memref<40x128xf32, #tpu.memory_space<vmem>>
        %dma_wait3A_232 = arith.constant 9920 : i32
        %dma_wait3A_233 = arith.constant 0 : i32
        %dma_wait3A_234 = tpu.memref_slice %arg15[%dma_wait3A_232, %dma_wait3A_233] : memref<10000x128xf32, #tpu.memory_space<vmem_shared>> -> memref<40x128xf32, #tpu.memory_space<vmem_shared>>
        %dma_wait3A_235 = arith.constant 9920 : i32
        %dma_wait3A_236 = arith.constant 0 : i32
        %dma_wait3A_237 = tpu.memref_slice %arg15[%dma_wait3A_235, %dma_wait3A_236] : memref<10000x128xf32, #tpu.memory_space<vmem_shared>> -> memref<40x128xf32, #tpu.memory_space<vmem_shared>>
        %dma_wait3A_238 = arith.constant 0 : i32
        %dma_wait3A_239 = arith.constant 0 : i32
        %dma_wait3A_240 = tpu.memref_slice %arg9[%dma_wait3A_238, %dma_wait3A_239] : memref<40x128xf32, #tpu.memory_space<vmem>> -> memref<40x128xf32, #tpu.memory_space<vmem>>
        tpu.wait_dma2 semaphore(%run_scoped3A : memref<!tpu.dma_semaphore, #tpu.memory_space<semaphore_mem>>) src(%dma_wait3A_240 : memref<40x128xf32, #tpu.memory_space<vmem>>) dst(%dma_wait3A_237 : memref<40x128xf32, #tpu.memory_space<vmem_shared>>)
        tpu.yield
      }) : () -> ()
      "tpu.region"() ({
        %run_scoped3A = tpu.sem_alloc : memref<!tpu.dma_semaphore, #tpu.memory_space<semaphore_mem>>
        %dma_start3A_217 = arith.constant 0 : i32
        %dma_start3A_218 = arith.constant 0 : i32
        %dma_start3A_219 = tpu.memref_slice %arg9[%dma_start3A_217, %dma_start3A_218] : memref<40x128xf32, #tpu.memory_space<vmem>> -> memref<40x128xf32, #tpu.memory_space<vmem>>
        %dma_start3A_220 = arith.constant 9960 : i32
        %dma_start3A_221 = arith.constant 0 : i32
        %dma_start3A_222 = tpu.memref_slice %arg15[%dma_start3A_220, %dma_start3A_221] : memref<10000x128xf32, #tpu.memory_space<vmem_shared>> -> memref<40x128xf32, #tpu.memory_space<vmem_shared>>
        %dma_start3A_223 = arith.constant 9960 : i32
        %dma_start3A_224 = arith.constant 0 : i32
        %dma_start3A_225 = tpu.memref_slice %arg15[%dma_start3A_223, %dma_start3A_224] : memref<10000x128xf32, #tpu.memory_space<vmem_shared>> -> memref<40x128xf32, #tpu.memory_space<vmem_shared>>
        %dma_start3A_226 = arith.constant 0 : i32
        %dma_start3A_227 = arith.constant 0 : i32
        %dma_start3A_228 = tpu.memref_slice %arg9[%dma_start3A_226, %dma_start3A_227] : memref<40x128xf32, #tpu.memory_space<vmem>> -> memref<40x128xf32, #tpu.memory_space<vmem>>
        tpu.enqueue_dma source(%dma_start3A_228 : memref<40x128xf32, #tpu.memory_space<vmem>>) target(%dma_start3A_225 : memref<40x128xf32, #tpu.memory_space<vmem_shared>>) target_semaphore(%run_scoped3A : memref<!tpu.dma_semaphore, #tpu.memory_space<semaphore_mem>>)
        %dma_wait3A_229 = arith.constant 0 : i32
        %dma_wait3A_230 = arith.constant 0 : i32
        %dma_wait3A_231 = tpu.memref_slice %arg9[%dma_wait3A_229, %dma_wait3A_230] : memref<40x128xf32, #tpu.memory_space<vmem>> -> memref<40x128xf32, #tpu.memory_space<vmem>>
        %dma_wait3A_232 = arith.constant 9960 : i32
        %dma_wait3A_233 = arith.constant 0 : i32
        %dma_wait3A_234 = tpu.memref_slice %arg15[%dma_wait3A_232, %dma_wait3A_233] : memref<10000x128xf32, #tpu.memory_space<vmem_shared>> -> memref<40x128xf32, #tpu.memory_space<vmem_shared>>
        %dma_wait3A_235 = arith.constant 9960 : i32
        %dma_wait3A_236 = arith.constant 0 : i32
        %dma_wait3A_237 = tpu.memref_slice %arg15[%dma_wait3A_235, %dma_wait3A_236] : memref<10000x128xf32, #tpu.memory_space<vmem_shared>> -> memref<40x128xf32, #tpu.memory_space<vmem_shared>>
        %dma_wait3A_238 = arith.constant 0 : i32
        %dma_wait3A_239 = arith.constant 0 : i32
        %dma_wait3A_240 = tpu.memref_slice %arg9[%dma_wait3A_238, %dma_wait3A_239] : memref<40x128xf32, #tpu.memory_space<vmem>> -> memref<40x128xf32, #tpu.memory_space<vmem>>
        tpu.wait_dma2 semaphore(%run_scoped3A : memref<!tpu.dma_semaphore, #tpu.memory_space<semaphore_mem>>) src(%dma_wait3A_240 : memref<40x128xf32, #tpu.memory_space<vmem>>) dst(%dma_wait3A_237 : memref<40x128xf32, #tpu.memory_space<vmem_shared>>)
        tpu.yield
      }) : () -> ()
    } else {
    }
    %dma_wait3A = tpu.memref_slice %arg2[%multiple_of3A] : memref<320000xi32, #tpu.memory_space<hbm>> -> memref<10000xi32, #tpu.memory_space<hbm>>
    %dma_wait3A_21 = tpu.memref_slice %arg2[%multiple_of3A] : memref<320000xi32, #tpu.memory_space<hbm>> -> memref<10000xi32, #tpu.memory_space<hbm>>
    tpu.wait_dma2 semaphore(%arg16 : memref<!tpu.dma_semaphore, #tpu.memory_space<semaphore_mem>>) src(%dma_wait3A_21 : memref<10000xi32, #tpu.memory_space<hbm>>) dst(%arg7 : memref<10000xi32, #tpu.memory_space<vmem>>)
    %dma_wait3A_22 = tpu.memref_slice %arg3[%multiple_of3A] : memref<320000xi32, #tpu.memory_space<hbm>> -> memref<10000xi32, #tpu.memory_space<hbm>>
    %dma_wait3A_23 = tpu.memref_slice %arg3[%multiple_of3A] : memref<320000xi32, #tpu.memory_space<hbm>> -> memref<10000xi32, #tpu.memory_space<hbm>>
    tpu.wait_dma2 semaphore(%arg16 : memref<!tpu.dma_semaphore, #tpu.memory_space<semaphore_mem>>) src(%dma_wait3A_23 : memref<10000xi32, #tpu.memory_space<hbm>>) dst(%arg8 : memref<10000xi32, #tpu.memory_space<vmem>>)
    %barrier3A = arith.constant 0 : index
    tpu.barrier barrier_id(%barrier3A)
    %add3A_24 = arith.constant 0 : i32
    %add3A_25 = arith.addi %multiple_of3A, %add3A_24 : i32
    %multiple_of3A_26 = tpu.assume_multiple %add3A_25, 8 : i32
    %dma_start3A_27 = arith.constant 0 : i32
    %dma_start3A_28 = tpu.memref_slice %arg7[%dma_start3A_27] : memref<10000xi32, #tpu.memory_space<vmem>> -> memref<40xi32, #tpu.memory_space<vmem>>
    %dma_start3A_29 = arith.constant 0 : i32
    %dma_start3A_30 = arith.constant 0 : i32
    %dma_start3A_31 = tpu.memref_slice %arg4[%dma_start3A_29, %dma_start3A_30] : memref<10000x128xf32, #tpu.memory_space<hbm>> -> memref<10000x128xf32, #tpu.memory_space<hbm>>
    tpu.enqueue_indirect_dma source(%dma_start3A_31 : memref<10000x128xf32, #tpu.memory_space<hbm>>) target(%arg9 : memref<40x128xf32, #tpu.memory_space<vmem>>) offsets(%dma_start3A_28 : memref<40xi32, #tpu.memory_space<vmem>>) semaphore(%arg17 : memref<!tpu.dma_semaphore, #tpu.memory_space<semaphore_mem>>)
    %dma_start3A_32 = arith.constant 0 : i32
    %dma_start3A_33 = tpu.memref_slice %arg5[%multiple_of3A_26, %dma_start3A_32] : memref<320000x128xf32, #tpu.memory_space<hbm>> -> memref<40x128xf32, #tpu.memory_space<hbm>>
    %dma_start3A_34 = arith.constant 0 : i32
    %dma_start3A_35 = tpu.memref_slice %arg5[%multiple_of3A_26, %dma_start3A_34] : memref<320000x128xf32, #tpu.memory_space<hbm>> -> memref<40x128xf32, #tpu.memory_space<hbm>>
    tpu.enqueue_dma source(%dma_start3A_35 : memref<40x128xf32, #tpu.memory_space<hbm>>) target(%arg10 : memref<40x128xf32, #tpu.memory_space<vmem>>) target_semaphore(%arg17 : memref<!tpu.dma_semaphore, #tpu.memory_space<semaphore_mem>>)
    %add3A_36 = arith.constant 40 : i32
    %add3A_37 = arith.addi %multiple_of3A, %add3A_36 : i32
    %multiple_of3A_38 = tpu.assume_multiple %add3A_37, 8 : i32
    %dma_start3A_39 = arith.constant 40 : i32
    %dma_start3A_40 = tpu.memref_slice %arg7[%dma_start3A_39] : memref<10000xi32, #tpu.memory_space<vmem>> -> memref<40xi32, #tpu.memory_space<vmem>>
    %dma_start3A_41 = arith.constant 0 : i32
    %dma_start3A_42 = arith.constant 0 : i32
    %dma_start3A_43 = tpu.memref_slice %arg4[%dma_start3A_41, %dma_start3A_42] : memref<10000x128xf32, #tpu.memory_space<hbm>> -> memref<10000x128xf32, #tpu.memory_space<hbm>>
    tpu.enqueue_indirect_dma source(%dma_start3A_43 : memref<10000x128xf32, #tpu.memory_space<hbm>>) target(%arg11 : memref<40x128xf32, #tpu.memory_space<vmem>>) offsets(%dma_start3A_40 : memref<40xi32, #tpu.memory_space<vmem>>) semaphore(%arg18 : memref<!tpu.dma_semaphore, #tpu.memory_space<semaphore_mem>>)
    %dma_start3A_44 = arith.constant 0 : i32
    %dma_start3A_45 = tpu.memref_slice %arg5[%multiple_of3A_38, %dma_start3A_44] : memref<320000x128xf32, #tpu.memory_space<hbm>> -> memref<40x128xf32, #tpu.memory_space<hbm>>
    %dma_start3A_46 = arith.constant 0 : i32
    %dma_start3A_47 = tpu.memref_slice %arg5[%multiple_of3A_38, %dma_start3A_46] : memref<320000x128xf32, #tpu.memory_space<hbm>> -> memref<40x128xf32, #tpu.memory_space<hbm>>
    tpu.enqueue_dma source(%dma_start3A_47 : memref<40x128xf32, #tpu.memory_space<hbm>>) target(%arg12 : memref<40x128xf32, #tpu.memory_space<vmem>>) target_semaphore(%arg18 : memref<!tpu.dma_semaphore, #tpu.memory_space<semaphore_mem>>)
    %add3A_48 = arith.constant 0 : i32
    %add3A_49 = arith.addi %multiple_of3A, %add3A_48 : i32
    %multiple_of3A_50 = tpu.assume_multiple %add3A_49, 8 : i32
    %dma_wait3A_51 = arith.constant 0 : i32
    %dma_wait3A_52 = tpu.memref_slice %arg7[%dma_wait3A_51] : memref<10000xi32, #tpu.memory_space<vmem>> -> memref<40xi32, #tpu.memory_space<vmem>>
    %dma_wait3A_53 = arith.constant 0 : i32
    %dma_wait3A_54 = arith.constant 0 : i32
    %dma_wait3A_55 = tpu.memref_slice %arg4[%dma_wait3A_53, %dma_wait3A_54] : memref<10000x128xf32, #tpu.memory_space<hbm>> -> memref<10000x128xf32, #tpu.memory_space<hbm>>
    tpu.wait_indirect_dma semaphore(%arg17 : memref<!tpu.dma_semaphore, #tpu.memory_space<semaphore_mem>>) src(%dma_wait3A_55 : memref<10000x128xf32, #tpu.memory_space<hbm>>) dst(%arg9 : memref<40x128xf32, #tpu.memory_space<vmem>>)
    %dma_wait3A_56 = arith.constant 0 : i32
    %dma_wait3A_57 = tpu.memref_slice %arg5[%multiple_of3A_50, %dma_wait3A_56] : memref<320000x128xf32, #tpu.memory_space<hbm>> -> memref<40x128xf32, #tpu.memory_space<hbm>>
    %dma_wait3A_58 = arith.constant 0 : i32
    %dma_wait3A_59 = tpu.memref_slice %arg5[%multiple_of3A_50, %dma_wait3A_58] : memref<320000x128xf32, #tpu.memory_space<hbm>> -> memref<40x128xf32, #tpu.memory_space<hbm>>
    tpu.wait_dma2 semaphore(%arg17 : memref<!tpu.dma_semaphore, #tpu.memory_space<semaphore_mem>>) src(%dma_wait3A_59 : memref<40x128xf32, #tpu.memory_space<hbm>>) dst(%arg10 : memref<40x128xf32, #tpu.memory_space<vmem>>)
    %dma_start3A_60 = arith.constant 0 : i32
    %dma_start3A_61 = tpu.memref_slice %arg8[%dma_start3A_60] : memref<10000xi32, #tpu.memory_space<vmem>> -> memref<40xi32, #tpu.memory_space<vmem>>
    %dma_start3A_62 = arith.constant 0 : i32
    %dma_start3A_63 = arith.constant 0 : i32
    %dma_start3A_64 = tpu.memref_slice %arg15[%dma_start3A_62, %dma_start3A_63] : memref<10000x128xf32, #tpu.memory_space<vmem_shared>> -> memref<10000x128xf32, #tpu.memory_space<vmem_shared>>
    tpu.enqueue_indirect_dma source(%arg9 : memref<40x128xf32, #tpu.memory_space<vmem>>) target(%dma_start3A_64 : memref<10000x128xf32, #tpu.memory_space<vmem_shared>>) offsets(%dma_start3A_61 : memref<40xi32, #tpu.memory_space<vmem>>) semaphore(%arg20 : memref<!tpu.dma_semaphore, #tpu.memory_space<semaphore_mem>>) {add = true}
    %dma_start3A_65 = arith.constant 0 : i32
    %dma_start3A_66 = tpu.memref_slice %arg8[%dma_start3A_65] : memref<10000xi32, #tpu.memory_space<vmem>> -> memref<40xi32, #tpu.memory_space<vmem>>
    %dma_start3A_67 = arith.constant 0 : i32
    %dma_start3A_68 = arith.constant 0 : i32
    %dma_start3A_69 = tpu.memref_slice %arg15[%dma_start3A_67, %dma_start3A_68] : memref<10000x128xf32, #tpu.memory_space<vmem_shared>> -> memref<10000x128xf32, #tpu.memory_space<vmem_shared>>
    tpu.enqueue_indirect_dma source(%arg10 : memref<40x128xf32, #tpu.memory_space<vmem>>) target(%dma_start3A_69 : memref<10000x128xf32, #tpu.memory_space<vmem_shared>>) offsets(%dma_start3A_66 : memref<40xi32, #tpu.memory_space<vmem>>) semaphore(%arg20 : memref<!tpu.dma_semaphore, #tpu.memory_space<semaphore_mem>>) {add = true}
    %add3A_70 = arith.constant 80 : i32
    %add3A_71 = arith.addi %multiple_of3A, %add3A_70 : i32
    %multiple_of3A_72 = tpu.assume_multiple %add3A_71, 8 : i32
    %dma_start3A_73 = arith.constant 80 : i32
    %dma_start3A_74 = tpu.memref_slice %arg7[%dma_start3A_73] : memref<10000xi32, #tpu.memory_space<vmem>> -> memref<40xi32, #tpu.memory_space<vmem>>
    %dma_start3A_75 = arith.constant 0 : i32
    %dma_start3A_76 = arith.constant 0 : i32
    %dma_start3A_77 = tpu.memref_slice %arg4[%dma_start3A_75, %dma_start3A_76] : memref<10000x128xf32, #tpu.memory_space<hbm>> -> memref<10000x128xf32, #tpu.memory_space<hbm>>
    tpu.enqueue_indirect_dma source(%dma_start3A_77 : memref<10000x128xf32, #tpu.memory_space<hbm>>) target(%arg13 : memref<40x128xf32, #tpu.memory_space<vmem>>) offsets(%dma_start3A_74 : memref<40xi32, #tpu.memory_space<vmem>>) semaphore(%arg19 : memref<!tpu.dma_semaphore, #tpu.memory_space<semaphore_mem>>)
    %dma_start3A_78 = arith.constant 0 : i32
    %dma_start3A_79 = tpu.memref_slice %arg5[%multiple_of3A_72, %dma_start3A_78] : memref<320000x128xf32, #tpu.memory_space<hbm>> -> memref<40x128xf32, #tpu.memory_space<hbm>>
    %dma_start3A_80 = arith.constant 0 : i32
    %dma_start3A_81 = tpu.memref_slice %arg5[%multiple_of3A_72, %dma_start3A_80] : memref<320000x128xf32, #tpu.memory_space<hbm>> -> memref<40x128xf32, #tpu.memory_space<hbm>>
    tpu.enqueue_dma source(%dma_start3A_81 : memref<40x128xf32, #tpu.memory_space<hbm>>) target(%arg14 : memref<40x128xf32, #tpu.memory_space<vmem>>) target_semaphore(%arg19 : memref<!tpu.dma_semaphore, #tpu.memory_space<semaphore_mem>>)
    %add3A_82 = arith.constant 40 : i32
    %add3A_83 = arith.addi %multiple_of3A, %add3A_82 : i32
    %multiple_of3A_84 = tpu.assume_multiple %add3A_83, 8 : i32
    %dma_wait3A_85 = arith.constant 40 : i32
    %dma_wait3A_86 = tpu.memref_slice %arg7[%dma_wait3A_85] : memref<10000xi32, #tpu.memory_space<vmem>> -> memref<40xi32, #tpu.memory_space<vmem>>
    %dma_wait3A_87 = arith.constant 0 : i32
    %dma_wait3A_88 = arith.constant 0 : i32
    %dma_wait3A_89 = tpu.memref_slice %arg4[%dma_wait3A_87, %dma_wait3A_88] : memref<10000x128xf32, #tpu.memory_space<hbm>> -> memref<10000x128xf32, #tpu.memory_space<hbm>>
    tpu.wait_indirect_dma semaphore(%arg18 : memref<!tpu.dma_semaphore, #tpu.memory_space<semaphore_mem>>) src(%dma_wait3A_89 : memref<10000x128xf32, #tpu.memory_space<hbm>>) dst(%arg11 : memref<40x128xf32, #tpu.memory_space<vmem>>)
    %dma_wait3A_90 = arith.constant 0 : i32
    %dma_wait3A_91 = tpu.memref_slice %arg5[%multiple_of3A_84, %dma_wait3A_90] : memref<320000x128xf32, #tpu.memory_space<hbm>> -> memref<40x128xf32, #tpu.memory_space<hbm>>
    %dma_wait3A_92 = arith.constant 0 : i32
    %dma_wait3A_93 = tpu.memref_slice %arg5[%multiple_of3A_84, %dma_wait3A_92] : memref<320000x128xf32, #tpu.memory_space<hbm>> -> memref<40x128xf32, #tpu.memory_space<hbm>>
    tpu.wait_dma2 semaphore(%arg18 : memref<!tpu.dma_semaphore, #tpu.memory_space<semaphore_mem>>) src(%dma_wait3A_93 : memref<40x128xf32, #tpu.memory_space<hbm>>) dst(%arg12 : memref<40x128xf32, #tpu.memory_space<vmem>>)
    %dma_start3A_94 = arith.constant 40 : i32
    %dma_start3A_95 = tpu.memref_slice %arg8[%dma_start3A_94] : memref<10000xi32, #tpu.memory_space<vmem>> -> memref<40xi32, #tpu.memory_space<vmem>>
    %dma_start3A_96 = arith.constant 0 : i32
    %dma_start3A_97 = arith.constant 0 : i32
    %dma_start3A_98 = tpu.memref_slice %arg15[%dma_start3A_96, %dma_start3A_97] : memref<10000x128xf32, #tpu.memory_space<vmem_shared>> -> memref<10000x128xf32, #tpu.memory_space<vmem_shared>>
    tpu.enqueue_indirect_dma source(%arg11 : memref<40x128xf32, #tpu.memory_space<vmem>>) target(%dma_start3A_98 : memref<10000x128xf32, #tpu.memory_space<vmem_shared>>) offsets(%dma_start3A_95 : memref<40xi32, #tpu.memory_space<vmem>>) semaphore(%arg21 : memref<!tpu.dma_semaphore, #tpu.memory_space<semaphore_mem>>) {add = true}
    %dma_start3A_99 = arith.constant 40 : i32
    %dma_start3A_100 = tpu.memref_slice %arg8[%dma_start3A_99] : memref<10000xi32, #tpu.memory_space<vmem>> -> memref<40xi32, #tpu.memory_space<vmem>>
    %dma_start3A_101 = arith.constant 0 : i32
    %dma_start3A_102 = arith.constant 0 : i32
    %dma_start3A_103 = tpu.memref_slice %arg15[%dma_start3A_101, %dma_start3A_102] : memref<10000x128xf32, #tpu.memory_space<vmem_shared>> -> memref<10000x128xf32, #tpu.memory_space<vmem_shared>>
    tpu.enqueue_indirect_dma source(%arg12 : memref<40x128xf32, #tpu.memory_space<vmem>>) target(%dma_start3A_103 : memref<10000x128xf32, #tpu.memory_space<vmem_shared>>) offsets(%dma_start3A_100 : memref<40xi32, #tpu.memory_space<vmem>>) semaphore(%arg21 : memref<!tpu.dma_semaphore, #tpu.memory_space<semaphore_mem>>) {add = true}
    %scan3A_104 = arith.constant 0 : i32
    %scan3A_105 = arith.constant 1 : i32
    %scan3A_106 = arith.constant 82 : i32
    %scan3A_107 = arith.addi %scan3A_105, %scan3A_106 : i32
    %scan3A_108 = arith.constant 1 : i32
    scf.for %scan3A_217 = %scan3A_105 to %scan3A_107 step %scan3A_108  : i32 {
      %mul3A_218 = arith.constant 3 : i32
      %mul3A_219 = arith.muli %mul3A_218, %scan3A_217 : i32
      %sub3A = arith.constant 3 : i32
      %sub3A_220 = arith.subi %mul3A_219, %sub3A : i32
      %mul3A_221 = arith.constant 40 : i32
      %mul3A_222 = arith.muli %sub3A_220, %mul3A_221 : i32
      %dma_wait3A_223 = tpu.memref_slice %arg8[%mul3A_222] : memref<10000xi32, #tpu.memory_space<vmem>> -> memref<40xi32, #tpu.memory_space<vmem>>
      %dma_wait3A_224 = arith.constant 0 : i32
      %dma_wait3A_225 = arith.constant 0 : i32
      %dma_wait3A_226 = tpu.memref_slice %arg15[%dma_wait3A_224, %dma_wait3A_225] : memref<10000x128xf32, #tpu.memory_space<vmem_shared>> -> memref<10000x128xf32, #tpu.memory_space<vmem_shared>>
      tpu.wait_indirect_dma semaphore(%arg20 : memref<!tpu.dma_semaphore, #tpu.memory_space<semaphore_mem>>) src(%arg9 : memref<40x128xf32, #tpu.memory_space<vmem>>) dst(%dma_wait3A_226 : memref<10000x128xf32, #tpu.memory_space<vmem_shared>>)
      %mul3A_227 = arith.constant 40 : i32
      %mul3A_228 = arith.muli %sub3A_220, %mul3A_227 : i32
      %dma_wait3A_229 = tpu.memref_slice %arg8[%mul3A_228] : memref<10000xi32, #tpu.memory_space<vmem>> -> memref<40xi32, #tpu.memory_space<vmem>>
      %dma_wait3A_230 = arith.constant 0 : i32
      %dma_wait3A_231 = arith.constant 0 : i32
      %dma_wait3A_232 = tpu.memref_slice %arg15[%dma_wait3A_230, %dma_wait3A_231] : memref<10000x128xf32, #tpu.memory_space<vmem_shared>> -> memref<10000x128xf32, #tpu.memory_space<vmem_shared>>
      tpu.wait_indirect_dma semaphore(%arg20 : memref<!tpu.dma_semaphore, #tpu.memory_space<semaphore_mem>>) src(%arg10 : memref<40x128xf32, #tpu.memory_space<vmem>>) dst(%dma_wait3A_232 : memref<10000x128xf32, #tpu.memory_space<vmem_shared>>)
      %mul3A_233 = arith.constant 40 : i32
      %mul3A_234 = arith.muli %mul3A_219, %mul3A_233 : i32
      %add3A_235 = arith.addi %multiple_of3A, %mul3A_234 : i32
      %multiple_of3A_236 = tpu.assume_multiple %add3A_235, 8 : i32
      %mul3A_237 = arith.constant 40 : i32
      %mul3A_238 = arith.muli %mul3A_219, %mul3A_237 : i32
      %dma_start3A_239 = tpu.memref_slice %arg7[%mul3A_238] : memref<10000xi32, #tpu.memory_space<vmem>> -> memref<40xi32, #tpu.memory_space<vmem>>
      %dma_start3A_240 = arith.constant 0 : i32
      %dma_start3A_241 = arith.constant 0 : i32
      %dma_start3A_242 = tpu.memref_slice %arg4[%dma_start3A_240, %dma_start3A_241] : memref<10000x128xf32, #tpu.memory_space<hbm>> -> memref<10000x128xf32, #tpu.memory_space<hbm>>
      tpu.enqueue_indirect_dma source(%dma_start3A_242 : memref<10000x128xf32, #tpu.memory_space<hbm>>) target(%arg9 : memref<40x128xf32, #tpu.memory_space<vmem>>) offsets(%dma_start3A_239 : memref<40xi32, #tpu.memory_space<vmem>>) semaphore(%arg17 : memref<!tpu.dma_semaphore, #tpu.memory_space<semaphore_mem>>)
      %dma_start3A_243 = arith.constant 0 : i32
      %dma_start3A_244 = tpu.memref_slice %arg5[%multiple_of3A_236, %dma_start3A_243] : memref<320000x128xf32, #tpu.memory_space<hbm>> -> memref<40x128xf32, #tpu.memory_space<hbm>>
      %dma_start3A_245 = arith.constant 0 : i32
      %dma_start3A_246 = tpu.memref_slice %arg5[%multiple_of3A_236, %dma_start3A_245] : memref<320000x128xf32, #tpu.memory_space<hbm>> -> memref<40x128xf32, #tpu.memory_space<hbm>>
      tpu.enqueue_dma source(%dma_start3A_246 : memref<40x128xf32, #tpu.memory_space<hbm>>) target(%arg10 : memref<40x128xf32, #tpu.memory_space<vmem>>) target_semaphore(%arg17 : memref<!tpu.dma_semaphore, #tpu.memory_space<semaphore_mem>>)
      %sub3A_247 = arith.constant 1 : i32
      %sub3A_248 = arith.subi %mul3A_219, %sub3A_247 : i32
      %mul3A_249 = arith.constant 40 : i32
      %mul3A_250 = arith.muli %sub3A_248, %mul3A_249 : i32
      %add3A_251 = arith.addi %multiple_of3A, %mul3A_250 : i32
      %multiple_of3A_252 = tpu.assume_multiple %add3A_251, 8 : i32
      %mul3A_253 = arith.constant 40 : i32
      %mul3A_254 = arith.muli %sub3A_248, %mul3A_253 : i32
      %dma_wait3A_255 = tpu.memref_slice %arg7[%mul3A_254] : memref<10000xi32, #tpu.memory_space<vmem>> -> memref<40xi32, #tpu.memory_space<vmem>>
      %dma_wait3A_256 = arith.constant 0 : i32
      %dma_wait3A_257 = arith.constant 0 : i32
      %dma_wait3A_258 = tpu.memref_slice %arg4[%dma_wait3A_256, %dma_wait3A_257] : memref<10000x128xf32, #tpu.memory_space<hbm>> -> memref<10000x128xf32, #tpu.memory_space<hbm>>
      tpu.wait_indirect_dma semaphore(%arg19 : memref<!tpu.dma_semaphore, #tpu.memory_space<semaphore_mem>>) src(%dma_wait3A_258 : memref<10000x128xf32, #tpu.memory_space<hbm>>) dst(%arg13 : memref<40x128xf32, #tpu.memory_space<vmem>>)
      %dma_wait3A_259 = arith.constant 0 : i32
      %dma_wait3A_260 = tpu.memref_slice %arg5[%multiple_of3A_252, %dma_wait3A_259] : memref<320000x128xf32, #tpu.memory_space<hbm>> -> memref<40x128xf32, #tpu.memory_space<hbm>>
      %dma_wait3A_261 = arith.constant 0 : i32
      %dma_wait3A_262 = tpu.memref_slice %arg5[%multiple_of3A_252, %dma_wait3A_261] : memref<320000x128xf32, #tpu.memory_space<hbm>> -> memref<40x128xf32, #tpu.memory_space<hbm>>
      tpu.wait_dma2 semaphore(%arg19 : memref<!tpu.dma_semaphore, #tpu.memory_space<semaphore_mem>>) src(%dma_wait3A_262 : memref<40x128xf32, #tpu.memory_space<hbm>>) dst(%arg14 : memref<40x128xf32, #tpu.memory_space<vmem>>)
      %sub3A_263 = arith.constant 1 : i32
      %sub3A_264 = arith.subi %mul3A_219, %sub3A_263 : i32
      %mul3A_265 = arith.constant 40 : i32
      %mul3A_266 = arith.muli %sub3A_264, %mul3A_265 : i32
      %dma_start3A_267 = tpu.memref_slice %arg8[%mul3A_266] : memref<10000xi32, #tpu.memory_space<vmem>> -> memref<40xi32, #tpu.memory_space<vmem>>
      %dma_start3A_268 = arith.constant 0 : i32
      %dma_start3A_269 = arith.constant 0 : i32
      %dma_start3A_270 = tpu.memref_slice %arg15[%dma_start3A_268, %dma_start3A_269] : memref<10000x128xf32, #tpu.memory_space<vmem_shared>> -> memref<10000x128xf32, #tpu.memory_space<vmem_shared>>
      tpu.enqueue_indirect_dma source(%arg13 : memref<40x128xf32, #tpu.memory_space<vmem>>) target(%dma_start3A_270 : memref<10000x128xf32, #tpu.memory_space<vmem_shared>>) offsets(%dma_start3A_267 : memref<40xi32, #tpu.memory_space<vmem>>) semaphore(%arg22 : memref<!tpu.dma_semaphore, #tpu.memory_space<semaphore_mem>>) {add = true}
      %mul3A_271 = arith.constant 40 : i32
      %mul3A_272 = arith.muli %sub3A_264, %mul3A_271 : i32
      %dma_start3A_273 = tpu.memref_slice %arg8[%mul3A_272] : memref<10000xi32, #tpu.memory_space<vmem>> -> memref<40xi32, #tpu.memory_space<vmem>>
      %dma_start3A_274 = arith.constant 0 : i32
      %dma_start3A_275 = arith.constant 0 : i32
      %dma_start3A_276 = tpu.memref_slice %arg15[%dma_start3A_274, %dma_start3A_275] : memref<10000x128xf32, #tpu.memory_space<vmem_shared>> -> memref<10000x128xf32, #tpu.memory_space<vmem_shared>>
      tpu.enqueue_indirect_dma source(%arg14 : memref<40x128xf32, #tpu.memory_space<vmem>>) target(%dma_start3A_276 : memref<10000x128xf32, #tpu.memory_space<vmem_shared>>) offsets(%dma_start3A_273 : memref<40xi32, #tpu.memory_space<vmem>>) semaphore(%arg22 : memref<!tpu.dma_semaphore, #tpu.memory_space<semaphore_mem>>) {add = true}
      %add3A_277 = arith.constant 1 : i32
      %add3A_278 = arith.addi %mul3A_219, %add3A_277 : i32
      %sub3A_279 = arith.constant 3 : i32
      %sub3A_280 = arith.subi %add3A_278, %sub3A_279 : i32
      %mul3A_281 = arith.constant 40 : i32
      %mul3A_282 = arith.muli %sub3A_280, %mul3A_281 : i32
      %dma_wait3A_283 = tpu.memref_slice %arg8[%mul3A_282] : memref<10000xi32, #tpu.memory_space<vmem>> -> memref<40xi32, #tpu.memory_space<vmem>>
      %dma_wait3A_284 = arith.constant 0 : i32
      %dma_wait3A_285 = arith.constant 0 : i32
      %dma_wait3A_286 = tpu.memref_slice %arg15[%dma_wait3A_284, %dma_wait3A_285] : memref<10000x128xf32, #tpu.memory_space<vmem_shared>> -> memref<10000x128xf32, #tpu.memory_space<vmem_shared>>
      tpu.wait_indirect_dma semaphore(%arg21 : memref<!tpu.dma_semaphore, #tpu.memory_space<semaphore_mem>>) src(%arg11 : memref<40x128xf32, #tpu.memory_space<vmem>>) dst(%dma_wait3A_286 : memref<10000x128xf32, #tpu.memory_space<vmem_shared>>)
      %mul3A_287 = arith.constant 40 : i32
      %mul3A_288 = arith.muli %sub3A_280, %mul3A_287 : i32
      %dma_wait3A_289 = tpu.memref_slice %arg8[%mul3A_288] : memref<10000xi32, #tpu.memory_space<vmem>> -> memref<40xi32, #tpu.memory_space<vmem>>
      %dma_wait3A_290 = arith.constant 0 : i32
      %dma_wait3A_291 = arith.constant 0 : i32
      %dma_wait3A_292 = tpu.memref_slice %arg15[%dma_wait3A_290, %dma_wait3A_291] : memref<10000x128xf32, #tpu.memory_space<vmem_shared>> -> memref<10000x128xf32, #tpu.memory_space<vmem_shared>>
      tpu.wait_indirect_dma semaphore(%arg21 : memref<!tpu.dma_semaphore, #tpu.memory_space<semaphore_mem>>) src(%arg12 : memref<40x128xf32, #tpu.memory_space<vmem>>) dst(%dma_wait3A_292 : memref<10000x128xf32, #tpu.memory_space<vmem_shared>>)
      %mul3A_293 = arith.constant 40 : i32
      %mul3A_294 = arith.muli %add3A_278, %mul3A_293 : i32
      %add3A_295 = arith.addi %multiple_of3A, %mul3A_294 : i32
      %multiple_of3A_296 = tpu.assume_multiple %add3A_295, 8 : i32
      %mul3A_297 = arith.constant 40 : i32
      %mul3A_298 = arith.muli %add3A_278, %mul3A_297 : i32
      %dma_start3A_299 = tpu.memref_slice %arg7[%mul3A_298] : memref<10000xi32, #tpu.memory_space<vmem>> -> memref<40xi32, #tpu.memory_space<vmem>>
      %dma_start3A_300 = arith.constant 0 : i32
      %dma_start3A_301 = arith.constant 0 : i32
      %dma_start3A_302 = tpu.memref_slice %arg4[%dma_start3A_300, %dma_start3A_301] : memref<10000x128xf32, #tpu.memory_space<hbm>> -> memref<10000x128xf32, #tpu.memory_space<hbm>>
      tpu.enqueue_indirect_dma source(%dma_start3A_302 : memref<10000x128xf32, #tpu.memory_space<hbm>>) target(%arg11 : memref<40x128xf32, #tpu.memory_space<vmem>>) offsets(%dma_start3A_299 : memref<40xi32, #tpu.memory_space<vmem>>) semaphore(%arg18 : memref<!tpu.dma_semaphore, #tpu.memory_space<semaphore_mem>>)
      %dma_start3A_303 = arith.constant 0 : i32
      %dma_start3A_304 = tpu.memref_slice %arg5[%multiple_of3A_296, %dma_start3A_303] : memref<320000x128xf32, #tpu.memory_space<hbm>> -> memref<40x128xf32, #tpu.memory_space<hbm>>
      %dma_start3A_305 = arith.constant 0 : i32
      %dma_start3A_306 = tpu.memref_slice %arg5[%multiple_of3A_296, %dma_start3A_305] : memref<320000x128xf32, #tpu.memory_space<hbm>> -> memref<40x128xf32, #tpu.memory_space<hbm>>
      tpu.enqueue_dma source(%dma_start3A_306 : memref<40x128xf32, #tpu.memory_space<hbm>>) target(%arg12 : memref<40x128xf32, #tpu.memory_space<vmem>>) target_semaphore(%arg18 : memref<!tpu.dma_semaphore, #tpu.memory_space<semaphore_mem>>)
      %sub3A_307 = arith.constant 1 : i32
      %sub3A_308 = arith.subi %add3A_278, %sub3A_307 : i32
      %mul3A_309 = arith.constant 40 : i32
      %mul3A_310 = arith.muli %sub3A_308, %mul3A_309 : i32
      %add3A_311 = arith.addi %multiple_of3A, %mul3A_310 : i32
      %multiple_of3A_312 = tpu.assume_multiple %add3A_311, 8 : i32
      %mul3A_313 = arith.constant 40 : i32
      %mul3A_314 = arith.muli %sub3A_308, %mul3A_313 : i32
      %dma_wait3A_315 = tpu.memref_slice %arg7[%mul3A_314] : memref<10000xi32, #tpu.memory_space<vmem>> -> memref<40xi32, #tpu.memory_space<vmem>>
      %dma_wait3A_316 = arith.constant 0 : i32
      %dma_wait3A_317 = arith.constant 0 : i32
      %dma_wait3A_318 = tpu.memref_slice %arg4[%dma_wait3A_316, %dma_wait3A_317] : memref<10000x128xf32, #tpu.memory_space<hbm>> -> memref<10000x128xf32, #tpu.memory_space<hbm>>
      tpu.wait_indirect_dma semaphore(%arg17 : memref<!tpu.dma_semaphore, #tpu.memory_space<semaphore_mem>>) src(%dma_wait3A_318 : memref<10000x128xf32, #tpu.memory_space<hbm>>) dst(%arg9 : memref<40x128xf32, #tpu.memory_space<vmem>>)
      %dma_wait3A_319 = arith.constant 0 : i32
      %dma_wait3A_320 = tpu.memref_slice %arg5[%multiple_of3A_312, %dma_wait3A_319] : memref<320000x128xf32, #tpu.memory_space<hbm>> -> memref<40x128xf32, #tpu.memory_space<hbm>>
      %dma_wait3A_321 = arith.constant 0 : i32
      %dma_wait3A_322 = tpu.memref_slice %arg5[%multiple_of3A_312, %dma_wait3A_321] : memref<320000x128xf32, #tpu.memory_space<hbm>> -> memref<40x128xf32, #tpu.memory_space<hbm>>
      tpu.wait_dma2 semaphore(%arg17 : memref<!tpu.dma_semaphore, #tpu.memory_space<semaphore_mem>>) src(%dma_wait3A_322 : memref<40x128xf32, #tpu.memory_space<hbm>>) dst(%arg10 : memref<40x128xf32, #tpu.memory_space<vmem>>)
      %sub3A_323 = arith.constant 1 : i32
      %sub3A_324 = arith.subi %add3A_278, %sub3A_323 : i32
      %mul3A_325 = arith.constant 40 : i32
      %mul3A_326 = arith.muli %sub3A_324, %mul3A_325 : i32
      %dma_start3A_327 = tpu.memref_slice %arg8[%mul3A_326] : memref<10000xi32, #tpu.memory_space<vmem>> -> memref<40xi32, #tpu.memory_space<vmem>>
      %dma_start3A_328 = arith.constant 0 : i32
      %dma_start3A_329 = arith.constant 0 : i32
      %dma_start3A_330 = tpu.memref_slice %arg15[%dma_start3A_328, %dma_start3A_329] : memref<10000x128xf32, #tpu.memory_space<vmem_shared>> -> memref<10000x128xf32, #tpu.memory_space<vmem_shared>>
      tpu.enqueue_indirect_dma source(%arg9 : memref<40x128xf32, #tpu.memory_space<vmem>>) target(%dma_start3A_330 : memref<10000x128xf32, #tpu.memory_space<vmem_shared>>) offsets(%dma_start3A_327 : memref<40xi32, #tpu.memory_space<vmem>>) semaphore(%arg20 : memref<!tpu.dma_semaphore, #tpu.memory_space<semaphore_mem>>) {add = true}
      %mul3A_331 = arith.constant 40 : i32
      %mul3A_332 = arith.muli %sub3A_324, %mul3A_331 : i32
      %dma_start3A_333 = tpu.memref_slice %arg8[%mul3A_332] : memref<10000xi32, #tpu.memory_space<vmem>> -> memref<40xi32, #tpu.memory_space<vmem>>
      %dma_start3A_334 = arith.constant 0 : i32
      %dma_start3A_335 = arith.constant 0 : i32
      %dma_start3A_336 = tpu.memref_slice %arg15[%dma_start3A_334, %dma_start3A_335] : memref<10000x128xf32, #tpu.memory_space<vmem_shared>> -> memref<10000x128xf32, #tpu.memory_space<vmem_shared>>
      tpu.enqueue_indirect_dma source(%arg10 : memref<40x128xf32, #tpu.memory_space<vmem>>) target(%dma_start3A_336 : memref<10000x128xf32, #tpu.memory_space<vmem_shared>>) offsets(%dma_start3A_333 : memref<40xi32, #tpu.memory_space<vmem>>) semaphore(%arg20 : memref<!tpu.dma_semaphore, #tpu.memory_space<semaphore_mem>>) {add = true}
      %add3A_337 = arith.constant 2 : i32
      %add3A_338 = arith.addi %mul3A_219, %add3A_337 : i32
      %sub3A_339 = arith.constant 3 : i32
      %sub3A_340 = arith.subi %add3A_338, %sub3A_339 : i32
      %mul3A_341 = arith.constant 40 : i32
      %mul3A_342 = arith.muli %sub3A_340, %mul3A_341 : i32
      %dma_wait3A_343 = tpu.memref_slice %arg8[%mul3A_342] : memref<10000xi32, #tpu.memory_space<vmem>> -> memref<40xi32, #tpu.memory_space<vmem>>
      %dma_wait3A_344 = arith.constant 0 : i32
      %dma_wait3A_345 = arith.constant 0 : i32
      %dma_wait3A_346 = tpu.memref_slice %arg15[%dma_wait3A_344, %dma_wait3A_345] : memref<10000x128xf32, #tpu.memory_space<vmem_shared>> -> memref<10000x128xf32, #tpu.memory_space<vmem_shared>>
      tpu.wait_indirect_dma semaphore(%arg22 : memref<!tpu.dma_semaphore, #tpu.memory_space<semaphore_mem>>) src(%arg13 : memref<40x128xf32, #tpu.memory_space<vmem>>) dst(%dma_wait3A_346 : memref<10000x128xf32, #tpu.memory_space<vmem_shared>>)
      %mul3A_347 = arith.constant 40 : i32
      %mul3A_348 = arith.muli %sub3A_340, %mul3A_347 : i32
      %dma_wait3A_349 = tpu.memref_slice %arg8[%mul3A_348] : memref<10000xi32, #tpu.memory_space<vmem>> -> memref<40xi32, #tpu.memory_space<vmem>>
      %dma_wait3A_350 = arith.constant 0 : i32
      %dma_wait3A_351 = arith.constant 0 : i32
      %dma_wait3A_352 = tpu.memref_slice %arg15[%dma_wait3A_350, %dma_wait3A_351] : memref<10000x128xf32, #tpu.memory_space<vmem_shared>> -> memref<10000x128xf32, #tpu.memory_space<vmem_shared>>
      tpu.wait_indirect_dma semaphore(%arg22 : memref<!tpu.dma_semaphore, #tpu.memory_space<semaphore_mem>>) src(%arg14 : memref<40x128xf32, #tpu.memory_space<vmem>>) dst(%dma_wait3A_352 : memref<10000x128xf32, #tpu.memory_space<vmem_shared>>)
      %mul3A_353 = arith.constant 40 : i32
      %mul3A_354 = arith.muli %add3A_338, %mul3A_353 : i32
      %add3A_355 = arith.addi %multiple_of3A, %mul3A_354 : i32
      %multiple_of3A_356 = tpu.assume_multiple %add3A_355, 8 : i32
      %mul3A_357 = arith.constant 40 : i32
      %mul3A_358 = arith.muli %add3A_338, %mul3A_357 : i32
      %dma_start3A_359 = tpu.memref_slice %arg7[%mul3A_358] : memref<10000xi32, #tpu.memory_space<vmem>> -> memref<40xi32, #tpu.memory_space<vmem>>
      %dma_start3A_360 = arith.constant 0 : i32
      %dma_start3A_361 = arith.constant 0 : i32
      %dma_start3A_362 = tpu.memref_slice %arg4[%dma_start3A_360, %dma_start3A_361] : memref<10000x128xf32, #tpu.memory_space<hbm>> -> memref<10000x128xf32, #tpu.memory_space<hbm>>
      tpu.enqueue_indirect_dma source(%dma_start3A_362 : memref<10000x128xf32, #tpu.memory_space<hbm>>) target(%arg13 : memref<40x128xf32, #tpu.memory_space<vmem>>) offsets(%dma_start3A_359 : memref<40xi32, #tpu.memory_space<vmem>>) semaphore(%arg19 : memref<!tpu.dma_semaphore, #tpu.memory_space<semaphore_mem>>)
      %dma_start3A_363 = arith.constant 0 : i32
      %dma_start3A_364 = tpu.memref_slice %arg5[%multiple_of3A_356, %dma_start3A_363] : memref<320000x128xf32, #tpu.memory_space<hbm>> -> memref<40x128xf32, #tpu.memory_space<hbm>>
      %dma_start3A_365 = arith.constant 0 : i32
      %dma_start3A_366 = tpu.memref_slice %arg5[%multiple_of3A_356, %dma_start3A_365] : memref<320000x128xf32, #tpu.memory_space<hbm>> -> memref<40x128xf32, #tpu.memory_space<hbm>>
      tpu.enqueue_dma source(%dma_start3A_366 : memref<40x128xf32, #tpu.memory_space<hbm>>) target(%arg14 : memref<40x128xf32, #tpu.memory_space<vmem>>) target_semaphore(%arg19 : memref<!tpu.dma_semaphore, #tpu.memory_space<semaphore_mem>>)
      %sub3A_367 = arith.constant 1 : i32
      %sub3A_368 = arith.subi %add3A_338, %sub3A_367 : i32
      %mul3A_369 = arith.constant 40 : i32
      %mul3A_370 = arith.muli %sub3A_368, %mul3A_369 : i32
      %add3A_371 = arith.addi %multiple_of3A, %mul3A_370 : i32
      %multiple_of3A_372 = tpu.assume_multiple %add3A_371, 8 : i32
      %mul3A_373 = arith.constant 40 : i32
      %mul3A_374 = arith.muli %sub3A_368, %mul3A_373 : i32
      %dma_wait3A_375 = tpu.memref_slice %arg7[%mul3A_374] : memref<10000xi32, #tpu.memory_space<vmem>> -> memref<40xi32, #tpu.memory_space<vmem>>
      %dma_wait3A_376 = arith.constant 0 : i32
      %dma_wait3A_377 = arith.constant 0 : i32
      %dma_wait3A_378 = tpu.memref_slice %arg4[%dma_wait3A_376, %dma_wait3A_377] : memref<10000x128xf32, #tpu.memory_space<hbm>> -> memref<10000x128xf32, #tpu.memory_space<hbm>>
      tpu.wait_indirect_dma semaphore(%arg18 : memref<!tpu.dma_semaphore, #tpu.memory_space<semaphore_mem>>) src(%dma_wait3A_378 : memref<10000x128xf32, #tpu.memory_space<hbm>>) dst(%arg11 : memref<40x128xf32, #tpu.memory_space<vmem>>)
      %dma_wait3A_379 = arith.constant 0 : i32
      %dma_wait3A_380 = tpu.memref_slice %arg5[%multiple_of3A_372, %dma_wait3A_379] : memref<320000x128xf32, #tpu.memory_space<hbm>> -> memref<40x128xf32, #tpu.memory_space<hbm>>
      %dma_wait3A_381 = arith.constant 0 : i32
      %dma_wait3A_382 = tpu.memref_slice %arg5[%multiple_of3A_372, %dma_wait3A_381] : memref<320000x128xf32, #tpu.memory_space<hbm>> -> memref<40x128xf32, #tpu.memory_space<hbm>>
      tpu.wait_dma2 semaphore(%arg18 : memref<!tpu.dma_semaphore, #tpu.memory_space<semaphore_mem>>) src(%dma_wait3A_382 : memref<40x128xf32, #tpu.memory_space<hbm>>) dst(%arg12 : memref<40x128xf32, #tpu.memory_space<vmem>>)
      %sub3A_383 = arith.constant 1 : i32
      %sub3A_384 = arith.subi %add3A_338, %sub3A_383 : i32
      %mul3A_385 = arith.constant 40 : i32
      %mul3A_386 = arith.muli %sub3A_384, %mul3A_385 : i32
      %dma_start3A_387 = tpu.memref_slice %arg8[%mul3A_386] : memref<10000xi32, #tpu.memory_space<vmem>> -> memref<40xi32, #tpu.memory_space<vmem>>
      %dma_start3A_388 = arith.constant 0 : i32
      %dma_start3A_389 = arith.constant 0 : i32
      %dma_start3A_390 = tpu.memref_slice %arg15[%dma_start3A_388, %dma_start3A_389] : memref<10000x128xf32, #tpu.memory_space<vmem_shared>> -> memref<10000x128xf32, #tpu.memory_space<vmem_shared>>
      tpu.enqueue_indirect_dma source(%arg11 : memref<40x128xf32, #tpu.memory_space<vmem>>) target(%dma_start3A_390 : memref<10000x128xf32, #tpu.memory_space<vmem_shared>>) offsets(%dma_start3A_387 : memref<40xi32, #tpu.memory_space<vmem>>) semaphore(%arg21 : memref<!tpu.dma_semaphore, #tpu.memory_space<semaphore_mem>>) {add = true}
      %mul3A_391 = arith.constant 40 : i32
      %mul3A_392 = arith.muli %sub3A_384, %mul3A_391 : i32
      %dma_start3A_393 = tpu.memref_slice %arg8[%mul3A_392] : memref<10000xi32, #tpu.memory_space<vmem>> -> memref<40xi32, #tpu.memory_space<vmem>>
      %dma_start3A_394 = arith.constant 0 : i32
      %dma_start3A_395 = arith.constant 0 : i32
      %dma_start3A_396 = tpu.memref_slice %arg15[%dma_start3A_394, %dma_start3A_395] : memref<10000x128xf32, #tpu.memory_space<vmem_shared>> -> memref<10000x128xf32, #tpu.memory_space<vmem_shared>>
      tpu.enqueue_indirect_dma source(%arg12 : memref<40x128xf32, #tpu.memory_space<vmem>>) target(%dma_start3A_396 : memref<10000x128xf32, #tpu.memory_space<vmem_shared>>) offsets(%dma_start3A_393 : memref<40xi32, #tpu.memory_space<vmem>>) semaphore(%arg21 : memref<!tpu.dma_semaphore, #tpu.memory_space<semaphore_mem>>) {add = true}
    }
    %scan3A_109 = arith.constant 82 : i32
    %dma_wait3A_110 = arith.constant 9840 : i32
    %dma_wait3A_111 = tpu.memref_slice %arg8[%dma_wait3A_110] : memref<10000xi32, #tpu.memory_space<vmem>> -> memref<40xi32, #tpu.memory_space<vmem>>
    %dma_wait3A_112 = arith.constant 0 : i32
    %dma_wait3A_113 = arith.constant 0 : i32
    %dma_wait3A_114 = tpu.memref_slice %arg15[%dma_wait3A_112, %dma_wait3A_113] : memref<10000x128xf32, #tpu.memory_space<vmem_shared>> -> memref<10000x128xf32, #tpu.memory_space<vmem_shared>>
    tpu.wait_indirect_dma semaphore(%arg20 : memref<!tpu.dma_semaphore, #tpu.memory_space<semaphore_mem>>) src(%arg9 : memref<40x128xf32, #tpu.memory_space<vmem>>) dst(%dma_wait3A_114 : memref<10000x128xf32, #tpu.memory_space<vmem_shared>>)
    %dma_wait3A_115 = arith.constant 9840 : i32
    %dma_wait3A_116 = tpu.memref_slice %arg8[%dma_wait3A_115] : memref<10000xi32, #tpu.memory_space<vmem>> -> memref<40xi32, #tpu.memory_space<vmem>>
    %dma_wait3A_117 = arith.constant 0 : i32
    %dma_wait3A_118 = arith.constant 0 : i32
    %dma_wait3A_119 = tpu.memref_slice %arg15[%dma_wait3A_117, %dma_wait3A_118] : memref<10000x128xf32, #tpu.memory_space<vmem_shared>> -> memref<10000x128xf32, #tpu.memory_space<vmem_shared>>
    tpu.wait_indirect_dma semaphore(%arg20 : memref<!tpu.dma_semaphore, #tpu.memory_space<semaphore_mem>>) src(%arg10 : memref<40x128xf32, #tpu.memory_space<vmem>>) dst(%dma_wait3A_119 : memref<10000x128xf32, #tpu.memory_space<vmem_shared>>)
    %add3A_120 = arith.constant 9960 : i32
    %add3A_121 = arith.addi %multiple_of3A, %add3A_120 : i32
    %multiple_of3A_122 = tpu.assume_multiple %add3A_121, 8 : i32
    %dma_start3A_123 = arith.constant 9960 : i32
    %dma_start3A_124 = tpu.memref_slice %arg7[%dma_start3A_123] : memref<10000xi32, #tpu.memory_space<vmem>> -> memref<40xi32, #tpu.memory_space<vmem>>
    %dma_start3A_125 = arith.constant 0 : i32
    %dma_start3A_126 = arith.constant 0 : i32
    %dma_start3A_127 = tpu.memref_slice %arg4[%dma_start3A_125, %dma_start3A_126] : memref<10000x128xf32, #tpu.memory_space<hbm>> -> memref<10000x128xf32, #tpu.memory_space<hbm>>
    tpu.enqueue_indirect_dma source(%dma_start3A_127 : memref<10000x128xf32, #tpu.memory_space<hbm>>) target(%arg9 : memref<40x128xf32, #tpu.memory_space<vmem>>) offsets(%dma_start3A_124 : memref<40xi32, #tpu.memory_space<vmem>>) semaphore(%arg17 : memref<!tpu.dma_semaphore, #tpu.memory_space<semaphore_mem>>)
    %dma_start3A_128 = arith.constant 0 : i32
    %dma_start3A_129 = tpu.memref_slice %arg5[%multiple_of3A_122, %dma_start3A_128] : memref<320000x128xf32, #tpu.memory_space<hbm>> -> memref<40x128xf32, #tpu.memory_space<hbm>>
    %dma_start3A_130 = arith.constant 0 : i32
    %dma_start3A_131 = tpu.memref_slice %arg5[%multiple_of3A_122, %dma_start3A_130] : memref<320000x128xf32, #tpu.memory_space<hbm>> -> memref<40x128xf32, #tpu.memory_space<hbm>>
    tpu.enqueue_dma source(%dma_start3A_131 : memref<40x128xf32, #tpu.memory_space<hbm>>) target(%arg10 : memref<40x128xf32, #tpu.memory_space<vmem>>) target_semaphore(%arg17 : memref<!tpu.dma_semaphore, #tpu.memory_space<semaphore_mem>>)
    %add3A_132 = arith.constant 9920 : i32
    %add3A_133 = arith.addi %multiple_of3A, %add3A_132 : i32
    %multiple_of3A_134 = tpu.assume_multiple %add3A_133, 8 : i32
    %dma_wait3A_135 = arith.constant 9920 : i32
    %dma_wait3A_136 = tpu.memref_slice %arg7[%dma_wait3A_135] : memref<10000xi32, #tpu.memory_space<vmem>> -> memref<40xi32, #tpu.memory_space<vmem>>
    %dma_wait3A_137 = arith.constant 0 : i32
    %dma_wait3A_138 = arith.constant 0 : i32
    %dma_wait3A_139 = tpu.memref_slice %arg4[%dma_wait3A_137, %dma_wait3A_138] : memref<10000x128xf32, #tpu.memory_space<hbm>> -> memref<10000x128xf32, #tpu.memory_space<hbm>>
    tpu.wait_indirect_dma semaphore(%arg19 : memref<!tpu.dma_semaphore, #tpu.memory_space<semaphore_mem>>) src(%dma_wait3A_139 : memref<10000x128xf32, #tpu.memory_space<hbm>>) dst(%arg13 : memref<40x128xf32, #tpu.memory_space<vmem>>)
    %dma_wait3A_140 = arith.constant 0 : i32
    %dma_wait3A_141 = tpu.memref_slice %arg5[%multiple_of3A_134, %dma_wait3A_140] : memref<320000x128xf32, #tpu.memory_space<hbm>> -> memref<40x128xf32, #tpu.memory_space<hbm>>
    %dma_wait3A_142 = arith.constant 0 : i32
    %dma_wait3A_143 = tpu.memref_slice %arg5[%multiple_of3A_134, %dma_wait3A_142] : memref<320000x128xf32, #tpu.memory_space<hbm>> -> memref<40x128xf32, #tpu.memory_space<hbm>>
    tpu.wait_dma2 semaphore(%arg19 : memref<!tpu.dma_semaphore, #tpu.memory_space<semaphore_mem>>) src(%dma_wait3A_143 : memref<40x128xf32, #tpu.memory_space<hbm>>) dst(%arg14 : memref<40x128xf32, #tpu.memory_space<vmem>>)
    %dma_start3A_144 = arith.constant 9920 : i32
    %dma_start3A_145 = tpu.memref_slice %arg8[%dma_start3A_144] : memref<10000xi32, #tpu.memory_space<vmem>> -> memref<40xi32, #tpu.memory_space<vmem>>
    %dma_start3A_146 = arith.constant 0 : i32
    %dma_start3A_147 = arith.constant 0 : i32
    %dma_start3A_148 = tpu.memref_slice %arg15[%dma_start3A_146, %dma_start3A_147] : memref<10000x128xf32, #tpu.memory_space<vmem_shared>> -> memref<10000x128xf32, #tpu.memory_space<vmem_shared>>
    tpu.enqueue_indirect_dma source(%arg13 : memref<40x128xf32, #tpu.memory_space<vmem>>) target(%dma_start3A_148 : memref<10000x128xf32, #tpu.memory_space<vmem_shared>>) offsets(%dma_start3A_145 : memref<40xi32, #tpu.memory_space<vmem>>) semaphore(%arg22 : memref<!tpu.dma_semaphore, #tpu.memory_space<semaphore_mem>>) {add = true}
    %dma_start3A_149 = arith.constant 9920 : i32
    %dma_start3A_150 = tpu.memref_slice %arg8[%dma_start3A_149] : memref<10000xi32, #tpu.memory_space<vmem>> -> memref<40xi32, #tpu.memory_space<vmem>>
    %dma_start3A_151 = arith.constant 0 : i32
    %dma_start3A_152 = arith.constant 0 : i32
    %dma_start3A_153 = tpu.memref_slice %arg15[%dma_start3A_151, %dma_start3A_152] : memref<10000x128xf32, #tpu.memory_space<vmem_shared>> -> memref<10000x128xf32, #tpu.memory_space<vmem_shared>>
    tpu.enqueue_indirect_dma source(%arg14 : memref<40x128xf32, #tpu.memory_space<vmem>>) target(%dma_start3A_153 : memref<10000x128xf32, #tpu.memory_space<vmem_shared>>) offsets(%dma_start3A_150 : memref<40xi32, #tpu.memory_space<vmem>>) semaphore(%arg22 : memref<!tpu.dma_semaphore, #tpu.memory_space<semaphore_mem>>) {add = true}
    %add3A_154 = arith.constant 9960 : i32
    %add3A_155 = arith.addi %multiple_of3A, %add3A_154 : i32
    %multiple_of3A_156 = tpu.assume_multiple %add3A_155, 8 : i32
    %dma_wait3A_157 = arith.constant 9960 : i32
    %dma_wait3A_158 = tpu.memref_slice %arg7[%dma_wait3A_157] : memref<10000xi32, #tpu.memory_space<vmem>> -> memref<40xi32, #tpu.memory_space<vmem>>
    %dma_wait3A_159 = arith.constant 0 : i32
    %dma_wait3A_160 = arith.constant 0 : i32
    %dma_wait3A_161 = tpu.memref_slice %arg4[%dma_wait3A_159, %dma_wait3A_160] : memref<10000x128xf32, #tpu.memory_space<hbm>> -> memref<10000x128xf32, #tpu.memory_space<hbm>>
    tpu.wait_indirect_dma semaphore(%arg17 : memref<!tpu.dma_semaphore, #tpu.memory_space<semaphore_mem>>) src(%dma_wait3A_161 : memref<10000x128xf32, #tpu.memory_space<hbm>>) dst(%arg9 : memref<40x128xf32, #tpu.memory_space<vmem>>)
    %dma_wait3A_162 = arith.constant 0 : i32
    %dma_wait3A_163 = tpu.memref_slice %arg5[%multiple_of3A_156, %dma_wait3A_162] : memref<320000x128xf32, #tpu.memory_space<hbm>> -> memref<40x128xf32, #tpu.memory_space<hbm>>
    %dma_wait3A_164 = arith.constant 0 : i32
    %dma_wait3A_165 = tpu.memref_slice %arg5[%multiple_of3A_156, %dma_wait3A_164] : memref<320000x128xf32, #tpu.memory_space<hbm>> -> memref<40x128xf32, #tpu.memory_space<hbm>>
    tpu.wait_dma2 semaphore(%arg17 : memref<!tpu.dma_semaphore, #tpu.memory_space<semaphore_mem>>) src(%dma_wait3A_165 : memref<40x128xf32, #tpu.memory_space<hbm>>) dst(%arg10 : memref<40x128xf32, #tpu.memory_space<vmem>>)
    %dma_start3A_166 = arith.constant 9960 : i32
    %dma_start3A_167 = tpu.memref_slice %arg8[%dma_start3A_166] : memref<10000xi32, #tpu.memory_space<vmem>> -> memref<40xi32, #tpu.memory_space<vmem>>
    %dma_start3A_168 = arith.constant 0 : i32
    %dma_start3A_169 = arith.constant 0 : i32
    %dma_start3A_170 = tpu.memref_slice %arg15[%dma_start3A_168, %dma_start3A_169] : memref<10000x128xf32, #tpu.memory_space<vmem_shared>> -> memref<10000x128xf32, #tpu.memory_space<vmem_shared>>
    tpu.enqueue_indirect_dma source(%arg9 : memref<40x128xf32, #tpu.memory_space<vmem>>) target(%dma_start3A_170 : memref<10000x128xf32, #tpu.memory_space<vmem_shared>>) offsets(%dma_start3A_167 : memref<40xi32, #tpu.memory_space<vmem>>) semaphore(%arg20 : memref<!tpu.dma_semaphore, #tpu.memory_space<semaphore_mem>>) {add = true}
    %dma_start3A_171 = arith.constant 9960 : i32
    %dma_start3A_172 = tpu.memref_slice %arg8[%dma_start3A_171] : memref<10000xi32, #tpu.memory_space<vmem>> -> memref<40xi32, #tpu.memory_space<vmem>>
    %dma_start3A_173 = arith.constant 0 : i32
    %dma_start3A_174 = arith.constant 0 : i32
    %dma_start3A_175 = tpu.memref_slice %arg15[%dma_start3A_173, %dma_start3A_174] : memref<10000x128xf32, #tpu.memory_space<vmem_shared>> -> memref<10000x128xf32, #tpu.memory_space<vmem_shared>>
    tpu.enqueue_indirect_dma source(%arg10 : memref<40x128xf32, #tpu.memory_space<vmem>>) target(%dma_start3A_175 : memref<10000x128xf32, #tpu.memory_space<vmem_shared>>) offsets(%dma_start3A_172 : memref<40xi32, #tpu.memory_space<vmem>>) semaphore(%arg20 : memref<!tpu.dma_semaphore, #tpu.memory_space<semaphore_mem>>) {add = true}
    %dma_wait3A_176 = arith.constant 9880 : i32
    %dma_wait3A_177 = tpu.memref_slice %arg8[%dma_wait3A_176] : memref<10000xi32, #tpu.memory_space<vmem>> -> memref<40xi32, #tpu.memory_space<vmem>>
    %dma_wait3A_178 = arith.constant 0 : i32
    %dma_wait3A_179 = arith.constant 0 : i32
    %dma_wait3A_180 = tpu.memref_slice %arg15[%dma_wait3A_178, %dma_wait3A_179] : memref<10000x128xf32, #tpu.memory_space<vmem_shared>> -> memref<10000x128xf32, #tpu.memory_space<vmem_shared>>
    tpu.wait_indirect_dma semaphore(%arg21 : memref<!tpu.dma_semaphore, #tpu.memory_space<semaphore_mem>>) src(%arg11 : memref<40x128xf32, #tpu.memory_space<vmem>>) dst(%dma_wait3A_180 : memref<10000x128xf32, #tpu.memory_space<vmem_shared>>)
    %dma_wait3A_181 = arith.constant 9880 : i32
    %dma_wait3A_182 = tpu.memref_slice %arg8[%dma_wait3A_181] : memref<10000xi32, #tpu.memory_space<vmem>> -> memref<40xi32, #tpu.memory_space<vmem>>
    %dma_wait3A_183 = arith.constant 0 : i32
    %dma_wait3A_184 = arith.constant 0 : i32
    %dma_wait3A_185 = tpu.memref_slice %arg15[%dma_wait3A_183, %dma_wait3A_184] : memref<10000x128xf32, #tpu.memory_space<vmem_shared>> -> memref<10000x128xf32, #tpu.memory_space<vmem_shared>>
    tpu.wait_indirect_dma semaphore(%arg21 : memref<!tpu.dma_semaphore, #tpu.memory_space<semaphore_mem>>) src(%arg12 : memref<40x128xf32, #tpu.memory_space<vmem>>) dst(%dma_wait3A_185 : memref<10000x128xf32, #tpu.memory_space<vmem_shared>>)
    %dma_wait3A_186 = arith.constant 9920 : i32
    %dma_wait3A_187 = tpu.memref_slice %arg8[%dma_wait3A_186] : memref<10000xi32, #tpu.memory_space<vmem>> -> memref<40xi32, #tpu.memory_space<vmem>>
    %dma_wait3A_188 = arith.constant 0 : i32
    %dma_wait3A_189 = arith.constant 0 : i32
    %dma_wait3A_190 = tpu.memref_slice %arg15[%dma_wait3A_188, %dma_wait3A_189] : memref<10000x128xf32, #tpu.memory_space<vmem_shared>> -> memref<10000x128xf32, #tpu.memory_space<vmem_shared>>
    tpu.wait_indirect_dma semaphore(%arg22 : memref<!tpu.dma_semaphore, #tpu.memory_space<semaphore_mem>>) src(%arg13 : memref<40x128xf32, #tpu.memory_space<vmem>>) dst(%dma_wait3A_190 : memref<10000x128xf32, #tpu.memory_space<vmem_shared>>)
    %dma_wait3A_191 = arith.constant 9920 : i32
    %dma_wait3A_192 = tpu.memref_slice %arg8[%dma_wait3A_191] : memref<10000xi32, #tpu.memory_space<vmem>> -> memref<40xi32, #tpu.memory_space<vmem>>
    %dma_wait3A_193 = arith.constant 0 : i32
    %dma_wait3A_194 = arith.constant 0 : i32
    %dma_wait3A_195 = tpu.memref_slice %arg15[%dma_wait3A_193, %dma_wait3A_194] : memref<10000x128xf32, #tpu.memory_space<vmem_shared>> -> memref<10000x128xf32, #tpu.memory_space<vmem_shared>>
    tpu.wait_indirect_dma semaphore(%arg22 : memref<!tpu.dma_semaphore, #tpu.memory_space<semaphore_mem>>) src(%arg14 : memref<40x128xf32, #tpu.memory_space<vmem>>) dst(%dma_wait3A_195 : memref<10000x128xf32, #tpu.memory_space<vmem_shared>>)
    %dma_wait3A_196 = arith.constant 9960 : i32
    %dma_wait3A_197 = tpu.memref_slice %arg8[%dma_wait3A_196] : memref<10000xi32, #tpu.memory_space<vmem>> -> memref<40xi32, #tpu.memory_space<vmem>>
    %dma_wait3A_198 = arith.constant 0 : i32
    %dma_wait3A_199 = arith.constant 0 : i32
    %dma_wait3A_200 = tpu.memref_slice %arg15[%dma_wait3A_198, %dma_wait3A_199] : memref<10000x128xf32, #tpu.memory_space<vmem_shared>> -> memref<10000x128xf32, #tpu.memory_space<vmem_shared>>
    tpu.wait_indirect_dma semaphore(%arg20 : memref<!tpu.dma_semaphore, #tpu.memory_space<semaphore_mem>>) src(%arg9 : memref<40x128xf32, #tpu.memory_space<vmem>>) dst(%dma_wait3A_200 : memref<10000x128xf32, #tpu.memory_space<vmem_shared>>)
    %dma_wait3A_201 = arith.constant 9960 : i32
    %dma_wait3A_202 = tpu.memref_slice %arg8[%dma_wait3A_201] : memref<10000xi32, #tpu.memory_space<vmem>> -> memref<40xi32, #tpu.memory_space<vmem>>
    %dma_wait3A_203 = arith.constant 0 : i32
    %dma_wait3A_204 = arith.constant 0 : i32
    %dma_wait3A_205 = tpu.memref_slice %arg15[%dma_wait3A_203, %dma_wait3A_204] : memref<10000x128xf32, #tpu.memory_space<vmem_shared>> -> memref<10000x128xf32, #tpu.memory_space<vmem_shared>>
    tpu.wait_indirect_dma semaphore(%arg20 : memref<!tpu.dma_semaphore, #tpu.memory_space<semaphore_mem>>) src(%arg10 : memref<40x128xf32, #tpu.memory_space<vmem>>) dst(%dma_wait3A_205 : memref<10000x128xf32, #tpu.memory_space<vmem_shared>>)
    %barrier3A_206 = arith.constant 0 : index
    tpu.barrier barrier_id(%barrier3A_206)
    %lt3A_207 = arith.constant 15 : i32
    %lt3A_208 = arith.cmpi slt, %arg1, %lt3A_207 : i32
    %convert_element_type3A_209 = arith.extui %lt3A_208 : i1 to i32
    %cond3A_210 = arith.constant 0 : i32
    %cond3A_211 = arith.cmpi ne, %convert_element_type3A_209, %cond3A_210 : i32
    scf.if %cond3A_211 {
      %mul3A_217 = arith.constant 10000 : i32
      %mul3A_218 = arith.muli %arg0, %mul3A_217 : i32
      %add3A_219 = arith.addi %mul3A_218, %multiple_of3A_8 : i32
      %multiple_of3A_220 = tpu.assume_multiple %add3A_219, 8 : i32
      "tpu.region"() ({
        %run_scoped3A = tpu.sem_alloc : memref<!tpu.dma_semaphore, #tpu.memory_space<semaphore_mem>>
        %dma_start3A_221 = arith.constant 0 : i32
        %dma_start3A_222 = tpu.memref_slice %arg6[%multiple_of3A_220, %dma_start3A_221] : memref<20000x128xf32, #tpu.memory_space<hbm>> -> memref<632x128xf32, #tpu.memory_space<hbm>>
        %dma_start3A_223 = arith.constant 0 : i32
        %dma_start3A_224 = tpu.memref_slice %arg15[%multiple_of3A_8, %dma_start3A_223] : memref<10000x128xf32, #tpu.memory_space<vmem_shared>> -> memref<632x128xf32, #tpu.memory_space<vmem_shared>>
        tpu.enqueue_dma source(%dma_start3A_224 : memref<632x128xf32, #tpu.memory_space<vmem_shared>>) target(%dma_start3A_222 : memref<632x128xf32, #tpu.memory_space<hbm>>) target_semaphore(%run_scoped3A : memref<!tpu.dma_semaphore, #tpu.memory_space<semaphore_mem>>)
        %dma_wait3A_225 = arith.constant 0 : i32
        %dma_wait3A_226 = tpu.memref_slice %arg6[%multiple_of3A_220, %dma_wait3A_225] : memref<20000x128xf32, #tpu.memory_space<hbm>> -> memref<632x128xf32, #tpu.memory_space<hbm>>
        %dma_wait3A_227 = arith.constant 0 : i32
        %dma_wait3A_228 = tpu.memref_slice %arg15[%multiple_of3A_8, %dma_wait3A_227] : memref<10000x128xf32, #tpu.memory_space<vmem_shared>> -> memref<632x128xf32, #tpu.memory_space<vmem_shared>>
        tpu.wait_dma2 semaphore(%run_scoped3A : memref<!tpu.dma_semaphore, #tpu.memory_space<semaphore_mem>>) src(%dma_wait3A_228 : memref<632x128xf32, #tpu.memory_space<vmem_shared>>) dst(%dma_wait3A_226 : memref<632x128xf32, #tpu.memory_space<hbm>>)
        tpu.yield
      }) : () -> ()
    } else {
    }
    %eq3A_212 = arith.constant 15 : i32
    %eq3A_213 = arith.cmpi eq, %arg1, %eq3A_212 : i32
    %convert_element_type3A_214 = arith.extui %eq3A_213 : i1 to i32
    %cond3A_215 = arith.constant 0 : i32
    %cond3A_216 = arith.cmpi ne, %convert_element_type3A_214, %cond3A_215 : i32
    scf.if %cond3A_216 {
      %mul3A_217 = arith.constant 10000 : i32
      %mul3A_218 = arith.muli %arg0, %mul3A_217 : i32
      %add3A_219 = arith.constant 9480 : i32
      %add3A_220 = arith.addi %mul3A_218, %add3A_219 : i32
      %multiple_of3A_221 = tpu.assume_multiple %add3A_220, 8 : i32
      "tpu.region"() ({
        %run_scoped3A = tpu.sem_alloc : memref<!tpu.dma_semaphore, #tpu.memory_space<semaphore_mem>>
        %dma_start3A_222 = arith.constant 0 : i32
        %dma_start3A_223 = tpu.memref_slice %arg6[%multiple_of3A_221, %dma_start3A_222] : memref<20000x128xf32, #tpu.memory_space<hbm>> -> memref<520x128xf32, #tpu.memory_space<hbm>>
        %dma_start3A_224 = arith.constant 9480 : i32
        %dma_start3A_225 = arith.constant 0 : i32
        %dma_start3A_226 = tpu.memref_slice %arg15[%dma_start3A_224, %dma_start3A_225] : memref<10000x128xf32, #tpu.memory_space<vmem_shared>> -> memref<520x128xf32, #tpu.memory_space<vmem_shared>>
        tpu.enqueue_dma source(%dma_start3A_226 : memref<520x128xf32, #tpu.memory_space<vmem_shared>>) target(%dma_start3A_223 : memref<520x128xf32, #tpu.memory_space<hbm>>) target_semaphore(%run_scoped3A : memref<!tpu.dma_semaphore, #tpu.memory_space<semaphore_mem>>)
        %dma_wait3A_227 = arith.constant 0 : i32
        %dma_wait3A_228 = tpu.memref_slice %arg6[%multiple_of3A_221, %dma_wait3A_227] : memref<20000x128xf32, #tpu.memory_space<hbm>> -> memref<520x128xf32, #tpu.memory_space<hbm>>
        %dma_wait3A_229 = arith.constant 9480 : i32
        %dma_wait3A_230 = arith.constant 0 : i32
        %dma_wait3A_231 = tpu.memref_slice %arg15[%dma_wait3A_229, %dma_wait3A_230] : memref<10000x128xf32, #tpu.memory_space<vmem_shared>> -> memref<520x128xf32, #tpu.memory_space<vmem_shared>>
        tpu.wait_dma2 semaphore(%run_scoped3A : memref<!tpu.dma_semaphore, #tpu.memory_space<semaphore_mem>>) src(%dma_wait3A_231 : memref<520x128xf32, #tpu.memory_space<vmem_shared>>) dst(%dma_wait3A_228 : memref<520x128xf32, #tpu.memory_space<hbm>>)
        tpu.yield
      }) : () -> ()
    } else {
    }
    return
  }
}

module attributes {stable_mosaic.version = 14 : i64} {
  func.func @_mlp_block(%arg0: i32, %arg1: memref<2000x128xf32, #tpu.memory_space<vmem>>, %arg2: memref<2000x128xf32, #tpu.memory_space<vmem>>, %arg3: memref<128x256xf32, #tpu.memory_space<vmem>>, %arg4: memref<1x256xf32, #tpu.memory_space<vmem>>, %arg5: memref<256x128xf32, #tpu.memory_space<vmem>>, %arg6: memref<1x128xf32, #tpu.memory_space<vmem>>, %arg7: memref<2000x128xf32, #tpu.memory_space<vmem>>) attributes {dimension_semantics = [#tpu.dimension_semantics<arbitrary>], iteration_bounds = array<i64: 5>, scalar_prefetch = 0 : i64, scratch_operands = 0 : i64, tpu.core_type = #tpu.core_type<tc>, window_params = [{transform_indices = @transform_0, window_bounds = array<i64: 2000, 128>}, {transform_indices = @transform_1, window_bounds = array<i64: 2000, 128>}, {pipeline_mode = #tpu.pipeline_mode<synchronous>, transform_indices = @transform_2, window_bounds = array<i64: 128, 256>}, {pipeline_mode = #tpu.pipeline_mode<synchronous>, transform_indices = @transform_3, window_bounds = array<i64: 1, 256>}, {pipeline_mode = #tpu.pipeline_mode<synchronous>, transform_indices = @transform_4, window_bounds = array<i64: 256, 128>}, {pipeline_mode = #tpu.pipeline_mode<synchronous>, transform_indices = @transform_5, window_bounds = array<i64: 1, 128>}, {transform_indices = @transform_6, window_bounds = array<i64: 2000, 128>}]} {
    %get3A = arith.constant 0 : index
    %get3A_0 = arith.constant 0 : index
    %get3A_1 = vector.load %arg1[%get3A, %get3A_0] : memref<2000x128xf32, #tpu.memory_space<vmem>>, vector<2000x128xf32>
    %get3A_2 = arith.constant 0 : index
    %get3A_3 = arith.constant 0 : index
    %get3A_4 = vector.load %arg2[%get3A_2, %get3A_3] : memref<2000x128xf32, #tpu.memory_space<vmem>>, vector<2000x128xf32>
    %add3A = arith.addf %get3A_1, %get3A_4 : vector<2000x128xf32>
    %get3A_5 = arith.constant 0 : index
    %get3A_6 = arith.constant 0 : index
    %get3A_7 = vector.load %arg3[%get3A_5, %get3A_6] : memref<128x256xf32, #tpu.memory_space<vmem>>, vector<128x256xf32>
    %dot_general3A = arith.constant dense<0.000000e+00> : vector<2000x256xf32>
    %dot_general3A_8 = tpu.matmul %add3A, %get3A_7, %dot_general3A {dimension_numbers = #tpu.dot_dimension_numbers<[1], [0], [0], [1], [0, 0, 1, 1], [], []>, transpose_lhs_hint = false} : vector<2000x128xf32>, vector<128x256xf32>, vector<2000x256xf32> -> vector<2000x256xf32>
    %get3A_9 = arith.constant 0 : index
    %get3A_10 = arith.constant 0 : index
    %get3A_11 = vector.load %arg4[%get3A_9, %get3A_10] : memref<1x256xf32, #tpu.memory_space<vmem>>, vector<1x256xf32>
    %add3A_12 = vector.broadcast %get3A_11 : vector<1x256xf32> to vector<2000x256xf32>
    %add3A_13 = arith.addf %dot_general3A_8, %add3A_12 : vector<2000x256xf32>
    %max3A = arith.constant 0.000000e+00 : f32
    %max3A_14 = vector.broadcast %max3A : f32 to vector<2000x256xf32>
    %max3A_15 = arith.maximumf %add3A_13, %max3A_14 : vector<2000x256xf32>
    %get3A_16 = arith.constant 0 : index
    %get3A_17 = arith.constant 0 : index
    %get3A_18 = vector.load %arg5[%get3A_16, %get3A_17] : memref<256x128xf32, #tpu.memory_space<vmem>>, vector<256x128xf32>
    %dot_general3A_19 = arith.constant dense<0.000000e+00> : vector<2000x128xf32>
    %dot_general3A_20 = tpu.matmul %max3A_15, %get3A_18, %dot_general3A_19 {dimension_numbers = #tpu.dot_dimension_numbers<[1], [0], [0], [1], [0, 0, 1, 1], [], []>, transpose_lhs_hint = false} : vector<2000x256xf32>, vector<256x128xf32>, vector<2000x128xf32> -> vector<2000x128xf32>
    %get3A_21 = arith.constant 0 : index
    %get3A_22 = arith.constant 0 : index
    %get3A_23 = vector.load %arg6[%get3A_21, %get3A_22] : memref<1x128xf32, #tpu.memory_space<vmem>>, vector<1x128xf32>
    %add3A_24 = vector.broadcast %get3A_23 : vector<1x128xf32> to vector<2000x128xf32>
    %add3A_25 = arith.addf %dot_general3A_20, %add3A_24 : vector<2000x128xf32>
    %swap3A = arith.constant 0 : index
    %swap3A_26 = arith.constant 0 : index
    %swap3A_27 = vector.load %arg7[%swap3A, %swap3A_26] : memref<2000x128xf32, #tpu.memory_space<vmem>>, vector<2000x128xf32>
    tpu.vector_store %arg7[%swap3A, %swap3A_26], %add3A_25 {strides = array<i32>} : memref<2000x128xf32, #tpu.memory_space<vmem>>, vector<2000x128xf32>,
    return
  }
  func.func @transform_0(%arg0: i32) -> (i32, i32) {
    %c0_i32 = arith.constant 0 : i32
    %c0_i32_0 = arith.constant 0 : i32
    return %arg0, %c0_i32 : i32, i32
  }
  func.func @transform_1(%arg0: i32) -> (i32, i32) {
    %add3A = arith.constant 5 : i32
    %add3A_0 = arith.addi %arg0, %add3A : i32
    %c0_i32 = arith.constant 0 : i32
    %c0_i32_1 = arith.constant 0 : i32
    return %add3A_0, %c0_i32 : i32, i32
  }
  func.func @transform_2(%arg0: i32) -> (i32, i32) {
    %c0_i32 = arith.constant 0 : i32
    %c0_i32_0 = arith.constant 0 : i32
    %c0_i32_1 = arith.constant 0 : i32
    return %c0_i32, %c0_i32_0 : i32, i32
  }
  func.func @transform_3(%arg0: i32) -> (i32, i32) {
    %c0_i32 = arith.constant 0 : i32
    %c0_i32_0 = arith.constant 0 : i32
    %c0_i32_1 = arith.constant 0 : i32
    return %c0_i32, %c0_i32_0 : i32, i32
  }
  func.func @transform_4(%arg0: i32) -> (i32, i32) {
    %c0_i32 = arith.constant 0 : i32
    %c0_i32_0 = arith.constant 0 : i32
    %c0_i32_1 = arith.constant 0 : i32
    return %c0_i32, %c0_i32_0 : i32, i32
  }
  func.func @transform_5(%arg0: i32) -> (i32, i32) {
    %c0_i32 = arith.constant 0 : i32
    %c0_i32_0 = arith.constant 0 : i32
    %c0_i32_1 = arith.constant 0 : i32
    return %c0_i32, %c0_i32_0 : i32, i32
  }
  func.func @transform_6(%arg0: i32) -> (i32, i32) {
    %c0_i32 = arith.constant 0 : i32
    %c0_i32_0 = arith.constant 0 : i32
    return %arg0, %c0_i32 : i32, i32
  }
}

</mosaic_0001>

<sc_bundles>
// kernel: kernel.4.cloned.1.call-start
scs
__scs_entry_jumppad:
0x0: {  	(pc) =	sbr.rel $0x88, $3  }
0x1: {  	(tag) =	ssettag $0x0;
	lr =	simm.s32 $0x1  }
0x2: {  	[smem:$0x3F9A] =	sst lr;
	_ =	strace $0xD0000000  }
0x3: {  	_ = 	snop  }
0x4: {  	_ = 	snop  }
0x5: {  	_ = 	snop  }
0x6: {  	_ = 	snop  }
0x7: {  	_ = 	snop  }
__scs_overlays_trampoline_lowered:
0x8: {  	[smem:$0x3FA9] =	sst s0  }
0x9: {  	[smem:$0x3FAA] =	sst s1  }
0xa: {  	[smem:$0x3FAB] =	sst s2  }
0xb: {  	[smem:$0x3FAC] =	sst s3  }
0xc: {  	[smem:$0x3FAD] =	sst s4  }
0xd: {  	[smem:$0x3FAE] =	sst s5  }
0xe: {  	[smem:$0x3FAF] =	sst s6  }
0xf: {  	[smem:$0x3FB0] =	sst s7  }
0x10: {  	[smem:$0x3FB1] =	sst s8  }
0x11: {  	[smem:$0x3FB2] =	sst s9;
	s0 =	simm.s32 @!p0 $0x0  }
0x12: {  	s1 =	sld [smem:$0x3F98];
	s0 =	simm.s32 @p0 $0x1  }
0x13: {  	[smem:$0x3FB3] =	sst s0;
	s0 =	simm.s32 @!p1 $0x0  }
0x14: {  	s2 =	sld [smem:$0x3F97];
	s0 =	simm.s32 @p1 $0x1  }
0x15: {  	[smem:$0x3FB4] =	sst s0;
	s0 =	simm.s32 @!p2 $0x0  }
0x16: {  	s3 =	sld [smem:$0x3FDB];
	s0 =	simm.s32 @p2 $0x1  }
0x17: {  	s4 =	simm.s32 $0x1BF5;
	[smem:$0x3FB6] =	sst s0  }
0x18: {  	s0 =	sld [smem:$0x3F99];
	_ =	swait.ge [sflag:s4], $0x0  }
0x19: {  	s7 =	sld [smem:$0x3F9A]  }
0x1a: {  	s8 =	sadd.s32 $0xFFFFE003, lr  }
0x1b: {  	s9 =	sadd.s32 $0xFFFFFEF7, lr;
	s5 =	simm.s32 $0xFFFFFFFF;
	p2 =	slt.u32 s8, $0xFFFFF086  }
0x1c: {  	p1 =	slt.u32 s9, $0xF7A;
	s5 =	simm.s32 @!p2 $0x0  }
0x1d: {  	s5 =	simm.s32 @p1 $0x1;
	p0 =	seq.s32 s7, s2  }
0x1e: {  	s7 =	smul.u32 @!p0 $0xF7A, s2;
	p2 =	seq.s32 @!p0 s5, $0x0  }
0x1f: {  	s9 =	smul.u32 $0xF7A, s1;
	s8 =	simm.s32 @!p0 $0x1BF5;
	p2 =	por !p2, p0  }
0x20: {  	[sflag:s8] =	ssyncset.s32 @!p0 $0xFFFFF086;
	s6 =	sadd.s32 @!p0 s3, s7;
	s7 =	simm.s32 @!p0 $0x108  }
0x21: {  	s3 =	sadd.s32 s3, s9;
	s6 =	sadd.s32 @!p0 $0x88, s6;
	s7 =	simm.s32 @p2 $0x1082  }
0x22: {  	[simem:s7], [sflag:s8] =	dma.local @!p0 [hbm:s6], $0xF7A  }
0x23: {  	s9 =	sor.u32 $0xD0000000, s2;
	s6 =	simm.s32 $0x108;
	_ =	swait.ge @!p0 [sflag:s8], $0x0  }
0x24: {  	s3 =	sadd.s32 $0x88, s3;
	s6 =	simm.s32 @!p1 $0x1082;
	[sflag:s4] =	ssyncset.s32 $0xFFFFF086  }
0x25: {  	[simem:s6], [sflag:s4] =	dma.local [hbm:s3], $0xF7A  }
0x26: {  	[smem:$0x3F9A] =	sst s1;
	(tag) =	ssettag s2;
	_ =	strace s9  }
0x27: {  	s1 =	sld [smem:$0x3FAA]  }
0x28: {  	s2 =	sld [smem:$0x3FAB]  }
0x29: {  	s4 =	sld [smem:$0x3FAD]  }
0x2a: {  	p0 =	seq.s32 s5, $0x0;
	s5 =	sld [smem:$0x3FAE]  }
0x2b: {  	s6 =	sld [smem:$0x3FAF]  }
0x2c: {  	s7 =	sld [smem:$0x3FB0]  }
0x2d: {  	s3 =	simm.s32 $0x108;
	s8 =	sld [smem:$0x3FB1]  }
0x2e: {  	s3 =	simm.s32 @!p0 $0x1082;
	s9 =	sld [smem:$0x3FB2]  }
0x2f: {  	lr =	sadd.s32 s0, s3;
	s0 =	sld [smem:$0x3FA9]  }
0x30: {  	s3 =	sld [smem:$0x3FAC]  }
0x31: {  	[smem:$0x3FB5] =	sst s10  }
0x32: {  	s10 =	sld [smem:$0x3FB3];
	_ =	sdelay $0x3  }
0x33: {  	p0 =	seq.s32 s10, $0x1;
	s10 =	sld [smem:$0x3FB5];
	_ =	sdelay $0x3  }
0x34: {  	[smem:$0x3FB5] =	sst s10  }
0x35: {  	s10 =	sld [smem:$0x3FB4];
	_ =	sdelay $0x3  }
0x36: {  	p1 =	seq.s32 s10, $0x1;
	s10 =	sld [smem:$0x3FB5];
	_ =	sdelay $0x3  }
0x37: {  	[smem:$0x3FB5] =	sst s10  }
0x38: {  	s10 =	sld [smem:$0x3FB6]  }
0x39: {  	_ = 	snop;
	(pc) =	sbr.ind lr, $3  }
0x3a: {  	_ = 	snop  }
0x3b: {  	_ = 	snop  }
0x3c: {  	p2 =	seq.s32 s10, $0x1;
	s10 =	sld [smem:$0x3FB5]  }
0x3d: {  	_ =	shalt  }
0x3e: {  	_ =	shalt  }
0x3f: {  	_ =	shalt  }
0x40: {  	_ =	shalt  }
0x41: {  	_ =	shalt  }
0x42: {  	_ =	shalt  }
0x43: {  	_ =	shalt  }
0x44: {  	_ =	shalt  }
0x45: {  	_ =	shalt  }
0x46: {  	_ =	shalt  }
0x47: {  	_ =	shalt  }
0x48: {  	_ =	shalt  }
0x49: {  	_ =	shalt  }
0x4a: {  	_ =	shalt  }
0x4b: {  	_ =	shalt  }
0x4c: {  	_ =	shalt  }
0x4d: {  	_ =	shalt  }
0x4e: {  	_ =	shalt  }
0x4f: {  	_ =	shalt  }
0x50: {  	_ =	shalt  }
0x51: {  	_ =	shalt  }
0x52: {  	_ =	shalt  }
0x53: {  	_ =	shalt  }
0x54: {  	_ =	shalt  }
0x55: {  	_ =	shalt  }
0x56: {  	_ =	shalt  }
0x57: {  	_ =	shalt  }
0x58: {  	_ =	shalt  }
0x59: {  	_ =	shalt  }
0x5a: {  	_ =	shalt  }
0x5b: {  	_ =	shalt  }
0x5c: {  	_ =	shalt  }
0x5d: {  	_ =	shalt  }
0x5e: {  	_ =	shalt  }
0x5f: {  	_ =	shalt  }
0x60: {  	_ =	shalt  }
0x61: {  	_ =	shalt  }
0x62: {  	_ =	shalt  }
0x63: {  	_ =	shalt  }
0x64: {  	_ =	shalt  }
0x65: {  	_ =	shalt  }
0x66: {  	_ =	shalt  }
0x67: {  	_ =	shalt  }
0x68: {  	_ =	shalt  }
0x69: {  	_ =	shalt  }
0x6a: {  	_ =	shalt  }
0x6b: {  	_ =	shalt  }
0x6c: {  	_ =	shalt  }
0x6d: {  	_ =	shalt  }
0x6e: {  	_ =	shalt  }
0x6f: {  	_ =	shalt  }
0x70: {  	_ =	shalt  }
0x71: {  	_ =	shalt  }
0x72: {  	_ =	shalt  }
0x73: {  	_ =	shalt  }
0x74: {  	_ =	shalt  }
0x75: {  	_ =	shalt  }
0x76: {  	_ =	shalt  }
0x77: {  	_ =	shalt  }
0x78: {  	_ =	shalt  }
0x79: {  	_ =	shalt  }
0x7a: {  	_ =	shalt  }
0x7b: {  	_ =	shalt  }
0x7c: {  	_ =	shalt  }
0x7d: {  	_ =	shalt  }
0x7e: {  	_ =	shalt  }
0x7f: {  	_ =	shalt  }
0x80: {  	_ =	shalt  }
0x81: {  	_ =	shalt  }
0x82: {  	_ =	shalt  }
0x83: {  	_ =	shalt  }
0x84: {  	_ =	shalt  }
0x85: {  	_ =	shalt  }
0x86: {  	_ =	shalt  }
0x87: {  	_ =	shalt  }
.Lfunc_end0:
.L_simem_size_0:
called_computation_lowered:
.L_overlay_start_0:
0x88: {  	s2 =	sld [smem:$0x3FD9]  }
0x89: {  	s3 =	sld [smem:$0x3FFE];
	_ =	sdelay $0x1  }
0x8a: {  	s1 =	srdreg.scid  }
0x8b: {  	s0 =	sand.u32 $0x1, s1  }
0x8c: {  	s17 =	sshll.u32 s0, $0xA;
	s2 =	sadd.s32 s3, s2  }
0x8d: {  	s2 =	sadd.s32 s2, s17  }
0x8e: {  	[smem:$0x3FC1] =	sst s2  }
0x8f: {  	_ = 	snop  }
0x90: {  	s2 =	sld [smem:$0x3FC9]  }
0x91: {  	s18 =	sld [smem:$0x3FC8]  }
0x92: {  	s4 =	sld [smem:$0x3FD0];
	(tm) =	ssettm $0x1  }
0x93: {  	s5 =	sld [smem:$0x3FFB];
	_ =	sdelay $0x3  }
0x94: {  	_ =	strace s5  }
0x95: {  	s5 =	sld [smem:$0x3FFC];
	_ =	sdelay $0x3  }
0x96: {  	_ =	strace s5  }
0x97: {  	s5 =	sld [smem:$0x3FFD];
	_ =	sdelay $0x3  }
0x98: {  	_ =	strace s5  }
0x99: {  	_ =	strace $0x8FFFFFFF  }
0x9a: {  	s19 =	sld [smem:$0x3FDB];
	_ =	sdelay $0x1  }
0x9b: {  	s6 =	simm.s32 $_scs_section_size  }
0x9c: {  	s7 =	simm.s32 $_size__tile_overlayer_lowered;
	s8 =	simm.s32 $_tile_overlayer_lowered  }
0x9d: {  	s22 =	simm.s32 $0x1BFF;
	s21 =	sshll.u32 s8, $0x1;
	s5 =	sadd.s32 s6, s19  }
0x9e: {  	s9 =	simm.s32 $0x0;
	s20 =	sshll.u32 s7, $0x1;
	s7 =	sadd.s32 s21, s5  }
0x9f: {  	[timem:s9], [sflag:s22] =	dma.local [hbm:s7], s20  }
0xa0: {  	_ =	swait.ge [sflag:s22], s20  }
0xa1: {  	s6 =	ssub.s32 $0x0, s20;
	[sflag:s22] =	ssyncset.done $0x0  }
0xa2: {  	[sflag:s22] =	ssyncadd.s32 s6;
	_ =	sdelay $0x1  }
0xa3: {  	s23 =	simm.s32 $0x1B8B  }
0xa4: {  	_ =	swait.ge [sflag:s23], $0x1  }
0xa5: {  	[sflag:s23] =	ssyncset.done $0x0  }
0xa6: {  	s25 =	simm.s32 $0x1B8E;
	s24 =	sld [smem:$0x3FFE];
	[sflag:s23] =	ssyncadd.s32 $0xFFFFFFFF  }
0xa7: {  	s26 =	simm.s32 $execute0_lowered;
	[smem:$0x3FD2] =	sst s25  }
0xa8: {  	s7 =	sshll.u32 s26, $0x1;
	_ =	strace $0x80000046;
	[dreg:$0x1] =	wrdreg $0xFFFFFFFF  }
0xa9: {  	s28 =	simm.s32 $_size_execute0_lowered;
	s5 =	sadd.s32 s5, s7;
	[dreg:$0x0] =	wrdreg $0x0  }
0xaa: {  	s7 =	sshll.u32 s28, $0x1;
	[dreg:$0x2] =	wrdreg s5  }
0xab: {  	[dreg:$0x3] =	wrdreg s7  }
0xac: {  	[dreg:$0x4] =	wrdreg $0xC0  }
0xad: {  	_ =	task [dreg:s9], $0x5FFFF  }
0xae: {  	[dreg:$0x1] =	wrdreg $0xFFFFFFFF  }
0xaf: {  	[dreg:$0x0] =	wrdreg $0x60  }
0xb0: {  	[dreg:$0x2] =	wrdreg s24  }
0xb1: {  	[dreg:$0x3] =	wrdreg s4  }
0xb2: {  	[dreg:$0x4] =	wrdreg s2  }
0xb3: {  	[dreg:$0x5] =	wrdreg s18  }
0xb4: {  	[dreg:$0x6] =	wrdreg $0xC7000  }
0xb5: {  	[dreg:$0x7] =	wrdreg $0x9  }
0xb6: {  	_ =	task.clear_ibuf [dreg:s9], $0x8FFFF;
	_ =	strace $0x90000046  }
0xb7: {  	s29 =	simm.s32 $0x9;
	_ =	strace $0x80000048  }
0xb8: {  	_ =	swait.ge [sflag:s29], $0x1  }
0xb9: {  	[sflag:s29] =	ssyncadd.s32 $0xFFFFFFFF  }
0xba: {  	_ =	strace $0x90000048  }
0xbb: {  	_ =	sfence  }
0xbc: {  	s30 =	sld [smem:$0x0];
	_ =	sdelay $0x2  }
0xbd: {  	s31 =	sshll.u32 s1, $0xD;
	s1 =	sshrl.u32 s1, $0x2  }
0xbe: {  	s3 =	sand.u32 $0x4000, s31;
	s1 =	sadd.s32 s1, s30  }
0xbf: {  	s0 =	sor.u32 s3, s0;
	s1 =	sshll.u32 s1, $0x11  }
0xc0: {  	s0 =	sor.u32 s1, s0  }
0xc1: {  	s0 =	sadd.s32 $0x8F2B, s0  }
0xc2: {  	[sflag:s0] =	ssyncadd.remote.s32 $0x1  }
0xc3: {  	_ =	sfence.sel $0xFFFF  }
0xc4: {  	[dreg:$0x0] =	wrdreg $0xFFFFFFFF;
	(pc) =	sbr.abs _section_cstart, $3  }
0xc5: {  	[dreg:$0x1] =	wrdreg $0xFFFFFFFF  }
0xc6: {  	_ =	task.clear_ibuf [dreg:s9], $0x2FFFF;
	_ =	strace $0x9FFFFFFF  }
0xc7: {  	(tm) =	ssettm $0x7FFFFFFF  }
tec
execute0_lowered:
.L_overlay_start_1:
0x0: {  	(tag) =	ssettag $0x1  }
0x1: {  	s1 =	rddreg [dreg:$0x0]  }
0x2: {  	s2 =	rddreg [dreg:$0x1]  }
0x3: {  	s0 =	rddreg [dreg:$0x2]  }
0x4: {  	s3 =	srdreg.scid;
	s5 =	rddreg [dreg:$0x3]  }
0x5: {  	s14 =	stileid.u32;
	s4 =	simm.s32 $0x0;
	s6 =	sand.u32 $0x1, s3  }
0x6: {  	s28 =	simm.s32 $0x8;
	s10 =	smul.u32 $0x4F000, s14;
	s7 =	sshll.u32 s6, $0x4  }
0x7: {  	s3 =	rddreg [dreg:$0x4];
	s17 =	smul.u32 $0x138800, s6;
	s8 =	sor.u32 s14, s7  }
0x8: {  	[smem:$0x7FF] =	sst s4;
	s9 =	ssub.s32 $0x2, s6;
	s7 =	smul.u32 $0x2710, s8  }
0x9: {  	_ =	strace $0x80000047;
	s12 =	sshrl.u32 s9, $0x1;
	s25 =	sshrl.u32 s10, $0x2  }
0xa: {  	s10 =	sshrl.u32 s17, $0x3;
	s17 =	sadd.s32 $0x12D400, s3;
	s7 =	sshrl.u32 s7, $0x3  }
0xb: {  	[dreg:$0x1e] =	wrdreg s17;
	s11 =	sadd.s32 s7, s1;
	s2 =	sadd.s32 s2, s7  }
0xc: {  	s7 =	sadd.s32 s25, s3;
	s24 =	sadd.s32 $0x600, s11;
	[dreg:$0x7] =	wrdreg s2  }
0xd: {  	s12 =	ssub.s32 s9, s12;
	s9 =	sadd.s32 $0x1400, s7;
	[dreg:$0x6] =	wrdreg s24  }
0xe: {  	s31 =	simm.s32 $0x1;
	s26 =	sadd.s32 $0x2800, s7;
	[dreg:$0x8] =	wrdreg s9  }
0xf: {  	s21 =	smul.u32 $0x27100, s14;
	s15 =	sadd.s32 $0x3C00, s7;
	[dreg:$0x9] =	wrdreg s26  }
0x10: {  	p0 =	seq.s32 s14, $0xF;
	s16 =	sadd.s32 $0x5000, s7;
	[dreg:$0xa] =	wrdreg s15  }
0x11: {  	s20 =	smul.u32 $0x271000, s6;
	s18 =	sadd.s32 $0x6400, s7;
	[dreg:$0xb] =	wrdreg s16  }
0x12: {  	s6 =	smul.u32 $0x27100, s6;
	s19 =	sadd.s32 $0x7800, s7;
	[dreg:$0xc] =	wrdreg s18  }
0x13: {  	s30 =	sadd.s32 $0x128400, s3;
	s13 =	sadd.s32 $0x8C00, s7;
	[dreg:$0xd] =	wrdreg s19  }
0x14: {  	s1 =	sadd.s32 $0xA400, s1;
	s25 =	sadd.s32 $0xB400, s7;
	[dreg:$0xe] =	wrdreg s13  }
0x15: {  	s23 =	sadd.s32 s1, s10;
	s10 =	sadd.s32 $0xF000, s7;
	[dreg:$0x14] =	wrdreg s25  }
0x16: {  	s2 =	smul.u32 $0x2780, s14;
	s14 =	sadd.s32 $0x12C00, s7;
	[dreg:$0x17] =	wrdreg s10  }
0x17: {  	s11 =	sadd.s32 s20, s5;
	s20 =	sadd.s32 $0x12FC00, s3;
	[dreg:$0x1a] =	wrdreg s14  }
0x18: {  	s29 =	smul.u32 $0x138800, s8;
	s24 =	sadd.s32 $0xA000, s7;
	[smem:$0x7F6] =	sst s20  }
0x19: {  	s8 =	smul.u32 $0x27100, s8;
	s26 =	sadd.s32 $0xC800, s7;
	[dreg:$0x13] =	wrdreg s24  }
0x1a: {  	s9 =	sshrl.u32 s29, $0x3;
	s29 =	sadd.s32 $0xDC00, s7;
	[dreg:$0x15] =	wrdreg s26  }
0x1b: {  	s11 =	sadd.s32 s21, s11;
	s13 =	sadd.s32 $0x11800, s7;
	[dreg:$0x16] =	wrdreg s29  }
0x1c: {  	s16 =	sadd.s32 $0x12AC00, s3;
	s18 =	sadd.s32 $0x12E800, s3;
	[dreg:$0x19] =	wrdreg s13  }
0x1d: {  	s21 =	sadd.s32 $0x12C000, s3;
	s20 =	smax.u32 s12, $0x1;
	[dreg:$0x1d] =	wrdreg s16  }
0x1e: {  	s25 =	sadd.s32 $0x134C00, s3;
	s10 =	simm.s32 $0x7700;
	[smem:$0x7F5] =	sst s18  }
0x1f: {  	s12 =	simm.s32 $0x2;
	s14 =	simm.s32 $0x9F00;
	[smem:$0x7F7] =	sst s21  }
0x20: {  	s19 =	sadd.s32 $0xC80, s11;
	s11 =	sadd.s32 $0x10400, s7;
	[smem:$0x7FB] =	sst s25  }
0x21: {  	s9 =	sadd.s32 s5, s9;
	s5 =	sadd.s32 s5, s8;
	[dreg:$0x18] =	wrdreg s11  }
0x22: {  	s2 =	sadd.s32 s2, s6;
	s24 =	sadd.s32 $0x133800, s3;
	[dreg:$0x1b] =	wrdreg s5  }
0x23: {  	s26 =	sadd.s32 $0x136000, s3;
	s29 =	sadd.s32 $0x137400, s3;
	[smem:$0x7FA] =	sst s24  }
0x24: {  	s25 =	simm.s32 $0x2780;
	s8 =	simm.s32 $0x6300;
	[smem:$0x7FC] =	sst s26  }
0x25: {  	s13 =	simm.s32 $0xB300;
	s15 =	sadd.s32 $0x280, s9;
	[smem:$0x7FD] =	sst s29  }
0x26: {  	s21 =	simm.s32 $0x3;
	s22 =	sadd.s32 $0x500, s9;
	[dreg:$0xf] =	wrdreg s15  }
0x27: {  	s6 =	simm.s32 $0x4E40;
	s9 =	sadd.s32 $0x26E80, s9;
	[dreg:$0x10] =	wrdreg s22  }
0x28: {  	s16 =	simm.s32 $0x0;
	s1 =	sadd.s32 s1, s2;
	[dreg:$0x11] =	wrdreg s9  }
0x29: {  	s26 =	simm.s32 $0x4F00;
	s9 =	sadd.s32 $0x25080, s23;
	[dreg:$0x1f] =	wrdreg s1  }
0x2a: {  	s11 =	simm.s32 $0x8B00;
	s15 =	sadd.s32 $0x129800, s3;
	[dreg:$0x12] =	wrdreg s9  }
0x2b: {  	s2 =	simm.s32 $0x27A8;
	s22 =	sadd.s32 $0x131000, s3;
	[dreg:$0x1c] =	wrdreg s15  }
0x2c: {  	s24 =	simm.s32 $0x6;
	s23 =	sadd.s32 $0x132400, s3;
	[smem:$0x7F8] =	sst s22  }
0x2d: {  	s5 =	simm.s32 $0x7;
	s1 =	simm.s32 $0x28;
	[smem:$0x7F9] =	sst s23  }
0x2e: {  	v0 =	vimm.f32 $0.0e+00;
	s22 =	simm.s32 $0x5;
	s23 =	simm.s32 $0x4;
	s15 =	simm.s32 $0x4E68  }
.LBB2_1:
0x2f: {  	s9 =	rddreg [dreg:$0x6]  }
0x30: {  	[tilespmem:s4], [sflag:$0x1] =	stream.linear.gather [hbm4b:s9+s4], $0x2710, $0x38;
	[tilespmem:$0x1FF80] =	vst v63  }
0x31: {  	s29 =	rddreg [dreg:$0x7];
	s17 =	simm.s32 $0x0;
	s18 =	simm.s32 $0x200  }
0x32: {  	[tilespmem:s25], [sflag:$0x1] =	stream.linear.gather [hbm4b:s29+s4], $0x2710, $0x38;
	[tilespmem:$0x1FF80] =	vst v63  }
.LBB2_2:
0x33: {  	p1 =	sne.s32 s18, $0x4E00;
	[tilespmem:s17+$0x4F70] =	vst v0  }
0x34: {  	[tilespmem:s17+$0x4F00] =	vst v0  }
0x35: {  	[tilespmem:s17+$0x4F10] =	vst v0  }
.Ltmp0:
0x36: {  	[tilespmem:s17+$0x4F20] =	vst v0;
	(pc) =	sbr.rel @p1 .LBB2_2-.Ltmp0, $4  }
0x37: {  	[tilespmem:s17+$0x4F30] =	vst v0  }
0x38: {  	[tilespmem:s17+$0x4F40] =	vst v0  }
0x39: {  	[tilespmem:s17+$0x4F50] =	vst v0  }
0x3a: {  	[tilespmem:s17+$0x4F60] =	vst v0;
	s17 =	sshra.s32 s18, $0x2;
	s18 =	sadd.s32 $0x200, s18  }
0x3b: {  	[tilespmem:s17+$0x4F70] =	vst v0  }
0x3c: {  	[tilespmem:s17+$0x4F00] =	vst v0  }
0x3d: {  	[tilespmem:s17+$0x4F10] =	vst v0  }
.Ltmp1:
0x3e: {  	[tilespmem:s17+$0x4F20] =	vst v0;
	(pc) =	sbr.rel @!p0 .LBB2_4-.Ltmp1, $4  }
0x3f: {  	[tilespmem:s17+$0x4F30] =	vst v0  }
0x40: {  	[tilespmem:s17+$0x4F40] =	vst v0  }
0x41: {  	[tilespmem:s17+$0x4F50] =	vst v0  }
0x42: {  	[tilespmem:s17+$0x4F60] =	vst v0  }
0x43: {  	[spmem:s30] =	stream.linear.scatter [tilespmem:s26], [sflag:$0x8], $0x1400, $0x38;
	[tilespmem:$0x1FF80] =	vst v63  }
0x44: {  	_ =	swait.ge [sflag:s28], $0x1400  }
0x45: {  	[sflag:s28] =	ssyncset.done $0x0  }
0x46: {  	s9 =	rddreg [dreg:$0x1c];
	[sflag:s28] =	ssyncadd.s32 $0xFFFFEC00  }
0x47: {  	[spmem:s9] =	stream.linear.scatter [tilespmem:s26], [sflag:$0x8], $0x1400, $0x38;
	[tilespmem:$0x1FF80] =	vst v63  }
0x48: {  	_ =	swait.ge [sflag:s28], $0x1400  }
0x49: {  	[sflag:s28] =	ssyncset.done $0x0  }
0x4a: {  	s18 =	rddreg [dreg:$0x1d];
	[sflag:s28] =	ssyncadd.s32 $0xFFFFEC00  }
0x4b: {  	[spmem:s18] =	stream.linear.scatter [tilespmem:s26], [sflag:$0x8], $0x1400, $0x38;
	[tilespmem:$0x1FF80] =	vst v63  }
0x4c: {  	_ =	swait.ge [sflag:s28], $0x1400  }
0x4d: {  	s29 =	sld [smem:$0x7F7]  }
0x4e: {  	[sflag:s28] =	ssyncset.done $0x0  }
0x4f: {  	[sflag:s28] =	ssyncadd.s32 $0xFFFFEC00  }
0x50: {  	[spmem:s29] =	stream.linear.scatter [tilespmem:s26], [sflag:$0x8], $0x1400, $0x38;
	[tilespmem:$0x1FF80] =	vst v63  }
0x51: {  	_ =	swait.ge [sflag:s28], $0x1400  }
0x52: {  	[sflag:s28] =	ssyncset.done $0x0  }
0x53: {  	s17 =	rddreg [dreg:$0x1e];
	[sflag:s28] =	ssyncadd.s32 $0xFFFFEC00  }
0x54: {  	[spmem:s17] =	stream.linear.scatter [tilespmem:s26], [sflag:$0x8], $0x1400, $0x38;
	[tilespmem:$0x1FF80] =	vst v63  }
0x55: {  	_ =	swait.ge [sflag:s28], $0x1400  }
0x56: {  	s18 =	sld [smem:$0x7F5]  }
0x57: {  	[sflag:s28] =	ssyncset.done $0x0  }
0x58: {  	[sflag:s28] =	ssyncadd.s32 $0xFFFFEC00  }
0x59: {  	[spmem:s18] =	stream.linear.scatter [tilespmem:s26], [sflag:$0x8], $0x1400, $0x38;
	[tilespmem:$0x1FF80] =	vst v63  }
0x5a: {  	_ =	swait.ge [sflag:s28], $0x1400  }
0x5b: {  	s29 =	sld [smem:$0x7F6]  }
0x5c: {  	[sflag:s28] =	ssyncset.done $0x0  }
0x5d: {  	[sflag:s28] =	ssyncadd.s32 $0xFFFFEC00  }
0x5e: {  	[spmem:s29] =	stream.linear.scatter [tilespmem:s26], [sflag:$0x8], $0x1400, $0x38;
	[tilespmem:$0x1FF80] =	vst v63  }
0x5f: {  	_ =	swait.ge [sflag:s28], $0x1400  }
0x60: {  	s17 =	sld [smem:$0x7F8]  }
0x61: {  	[sflag:s28] =	ssyncset.done $0x0  }
0x62: {  	[sflag:s28] =	ssyncadd.s32 $0xFFFFEC00  }
0x63: {  	[spmem:s17] =	stream.linear.scatter [tilespmem:s26], [sflag:$0x8], $0x1400, $0x38;
	[tilespmem:$0x1FF80] =	vst v63  }
0x64: {  	_ =	swait.ge [sflag:s28], $0x1400  }
0x65: {  	s18 =	sld [smem:$0x7F9]  }
0x66: {  	[sflag:s28] =	ssyncset.done $0x0  }
0x67: {  	[sflag:s28] =	ssyncadd.s32 $0xFFFFEC00  }
0x68: {  	[spmem:s18] =	stream.linear.scatter [tilespmem:s26], [sflag:$0x8], $0x1400, $0x38;
	[tilespmem:$0x1FF80] =	vst v63  }
0x69: {  	_ =	swait.ge [sflag:s28], $0x1400  }
0x6a: {  	s29 =	sld [smem:$0x7FA]  }
0x6b: {  	[sflag:s28] =	ssyncset.done $0x0  }
0x6c: {  	[sflag:s28] =	ssyncadd.s32 $0xFFFFEC00  }
0x6d: {  	[spmem:s29] =	stream.linear.scatter [tilespmem:s26], [sflag:$0x8], $0x1400, $0x38;
	[tilespmem:$0x1FF80] =	vst v63  }
0x6e: {  	_ =	swait.ge [sflag:s28], $0x1400  }
0x6f: {  	s17 =	sld [smem:$0x7FB]  }
0x70: {  	[sflag:s28] =	ssyncset.done $0x0  }
0x71: {  	[sflag:s28] =	ssyncadd.s32 $0xFFFFEC00  }
0x72: {  	[spmem:s17] =	stream.linear.scatter [tilespmem:s26], [sflag:$0x8], $0x1400, $0x38;
	[tilespmem:$0x1FF80] =	vst v63  }
0x73: {  	_ =	swait.ge [sflag:s28], $0x1400  }
0x74: {  	s18 =	sld [smem:$0x7FC]  }
0x75: {  	[sflag:s28] =	ssyncset.done $0x0  }
0x76: {  	[sflag:s28] =	ssyncadd.s32 $0xFFFFEC00  }
0x77: {  	[spmem:s18] =	stream.linear.scatter [tilespmem:s26], [sflag:$0x8], $0x1400, $0x38;
	[tilespmem:$0x1FF80] =	vst v63  }
0x78: {  	_ =	swait.ge [sflag:s28], $0x1400  }
0x79: {  	s29 =	sld [smem:$0x7FD]  }
0x7a: {  	[sflag:s28] =	ssyncset.done $0x0  }
.Ltmp2:
0x7b: {  	[sflag:s28] =	ssyncadd.s32 $0xFFFFEC00;
	(pc) =	sbr.rel .LBB2_6-.Ltmp2, $4  }
0x7c: {  	[spmem:s29] =	stream.linear.scatter [tilespmem:s26], [sflag:$0x8], $0x1400, $0x38;
	[tilespmem:$0x1FF80] =	vst v63  }
0x7d: {  	_ =	swait.ge [sflag:s28], $0x1400  }
0x7e: {  	[sflag:s28] =	ssyncset.done $0x0  }
0x7f: {  	[sflag:s28] =	ssyncadd.s32 $0xFFFFEC00  }
.LBB2_4:
0x80: {  	[spmem:s7] =	stream.linear.scatter [tilespmem:s26], [sflag:$0x8], $0x1400, $0x38;
	[tilespmem:$0x1FF80] =	vst v63  }
0x81: {  	_ =	swait.ge [sflag:s28], $0x1400  }
0x82: {  	[sflag:s28] =	ssyncset.done $0x0  }
0x83: {  	s9 =	rddreg [dreg:$0x8];
	[sflag:s28] =	ssyncadd.s32 $0xFFFFEC00  }
0x84: {  	[spmem:s9] =	stream.linear.scatter [tilespmem:s26], [sflag:$0x8], $0x1400, $0x38;
	[tilespmem:$0x1FF80] =	vst v63  }
0x85: {  	_ =	swait.ge [sflag:s28], $0x1400  }
0x86: {  	[sflag:s28] =	ssyncset.done $0x0  }
0x87: {  	s18 =	rddreg [dreg:$0x9];
	[sflag:s28] =	ssyncadd.s32 $0xFFFFEC00  }
0x88: {  	[spmem:s18] =	stream.linear.scatter [tilespmem:s26], [sflag:$0x8], $0x1400, $0x38;
	[tilespmem:$0x1FF80] =	vst v63  }
0x89: {  	_ =	swait.ge [sflag:s28], $0x1400  }
0x8a: {  	[sflag:s28] =	ssyncset.done $0x0  }
0x8b: {  	s29 =	rddreg [dreg:$0xa];
	[sflag:s28] =	ssyncadd.s32 $0xFFFFEC00  }
0x8c: {  	[spmem:s29] =	stream.linear.scatter [tilespmem:s26], [sflag:$0x8], $0x1400, $0x38;
	[tilespmem:$0x1FF80] =	vst v63  }
0x8d: {  	_ =	swait.ge [sflag:s28], $0x1400  }
0x8e: {  	[sflag:s28] =	ssyncset.done $0x0  }
0x8f: {  	s17 =	rddreg [dreg:$0xb];
	[sflag:s28] =	ssyncadd.s32 $0xFFFFEC00  }
0x90: {  	[spmem:s17] =	stream.linear.scatter [tilespmem:s26], [sflag:$0x8], $0x1400, $0x38;
	[tilespmem:$0x1FF80] =	vst v63  }
0x91: {  	_ =	swait.ge [sflag:s28], $0x1400  }
0x92: {  	[sflag:s28] =	ssyncset.done $0x0  }
0x93: {  	s18 =	rddreg [dreg:$0xc];
	[sflag:s28] =	ssyncadd.s32 $0xFFFFEC00  }
0x94: {  	[spmem:s18] =	stream.linear.scatter [tilespmem:s26], [sflag:$0x8], $0x1400, $0x38;
	[tilespmem:$0x1FF80] =	vst v63  }
0x95: {  	_ =	swait.ge [sflag:s28], $0x1400  }
0x96: {  	[sflag:s28] =	ssyncset.done $0x0  }
0x97: {  	s29 =	rddreg [dreg:$0xd];
	[sflag:s28] =	ssyncadd.s32 $0xFFFFEC00  }
0x98: {  	[spmem:s29] =	stream.linear.scatter [tilespmem:s26], [sflag:$0x8], $0x1400, $0x38;
	[tilespmem:$0x1FF80] =	vst v63  }
0x99: {  	_ =	swait.ge [sflag:s28], $0x1400  }
0x9a: {  	[sflag:s28] =	ssyncset.done $0x0  }
0x9b: {  	s17 =	rddreg [dreg:$0xe];
	[sflag:s28] =	ssyncadd.s32 $0xFFFFEC00  }
0x9c: {  	[spmem:s17] =	stream.linear.scatter [tilespmem:s26], [sflag:$0x8], $0x1400, $0x38;
	[tilespmem:$0x1FF80] =	vst v63  }
0x9d: {  	_ =	swait.ge [sflag:s28], $0x1400  }
0x9e: {  	[sflag:s28] =	ssyncset.done $0x0  }
0x9f: {  	s18 =	rddreg [dreg:$0x13];
	[sflag:s28] =	ssyncadd.s32 $0xFFFFEC00  }
0xa0: {  	[spmem:s18] =	stream.linear.scatter [tilespmem:s26], [sflag:$0x8], $0x1400, $0x38;
	[tilespmem:$0x1FF80] =	vst v63  }
0xa1: {  	_ =	swait.ge [sflag:s28], $0x1400  }
0xa2: {  	[sflag:s28] =	ssyncset.done $0x0  }
0xa3: {  	s29 =	rddreg [dreg:$0x14];
	[sflag:s28] =	ssyncadd.s32 $0xFFFFEC00  }
0xa4: {  	[spmem:s29] =	stream.linear.scatter [tilespmem:s26], [sflag:$0x8], $0x1400, $0x38;
	[tilespmem:$0x1FF80] =	vst v63  }
0xa5: {  	_ =	swait.ge [sflag:s28], $0x1400  }
0xa6: {  	[sflag:s28] =	ssyncset.done $0x0  }
0xa7: {  	s17 =	rddreg [dreg:$0x15];
	[sflag:s28] =	ssyncadd.s32 $0xFFFFEC00  }
0xa8: {  	[spmem:s17] =	stream.linear.scatter [tilespmem:s26], [sflag:$0x8], $0x1400, $0x38;
	[tilespmem:$0x1FF80] =	vst v63  }
0xa9: {  	_ =	swait.ge [sflag:s28], $0x1400  }
0xaa: {  	[sflag:s28] =	ssyncset.done $0x0  }
0xab: {  	s18 =	rddreg [dreg:$0x16];
	[sflag:s28] =	ssyncadd.s32 $0xFFFFEC00  }
0xac: {  	[spmem:s18] =	stream.linear.scatter [tilespmem:s26], [sflag:$0x8], $0x1400, $0x38;
	[tilespmem:$0x1FF80] =	vst v63  }
0xad: {  	_ =	swait.ge [sflag:s28], $0x1400  }
0xae: {  	[sflag:s28] =	ssyncset.done $0x0  }
0xaf: {  	s29 =	rddreg [dreg:$0x17];
	[sflag:s28] =	ssyncadd.s32 $0xFFFFEC00  }
0xb0: {  	[spmem:s29] =	stream.linear.scatter [tilespmem:s26], [sflag:$0x8], $0x1400, $0x38;
	[tilespmem:$0x1FF80] =	vst v63  }
0xb1: {  	_ =	swait.ge [sflag:s28], $0x1400  }
0xb2: {  	[sflag:s28] =	ssyncset.done $0x0  }
0xb3: {  	s17 =	rddreg [dreg:$0x18];
	[sflag:s28] =	ssyncadd.s32 $0xFFFFEC00  }
0xb4: {  	[spmem:s17] =	stream.linear.scatter [tilespmem:s26], [sflag:$0x8], $0x1400, $0x38;
	[tilespmem:$0x1FF80] =	vst v63  }
0xb5: {  	_ =	swait.ge [sflag:s28], $0x1400  }
0xb6: {  	[sflag:s28] =	ssyncset.done $0x0  }
0xb7: {  	s18 =	rddreg [dreg:$0x19];
	[sflag:s28] =	ssyncadd.s32 $0xFFFFEC00  }
0xb8: {  	[spmem:s18] =	stream.linear.scatter [tilespmem:s26], [sflag:$0x8], $0x1400, $0x38;
	[tilespmem:$0x1FF80] =	vst v63  }
0xb9: {  	_ =	swait.ge [sflag:s28], $0x1400  }
0xba: {  	[sflag:s28] =	ssyncset.done $0x0  }
0xbb: {  	s29 =	rddreg [dreg:$0x1a];
	[sflag:s28] =	ssyncadd.s32 $0xFFFFEC00  }
0xbc: {  	[spmem:s29] =	stream.linear.scatter [tilespmem:s26], [sflag:$0x8], $0x1000, $0x38;
	[tilespmem:$0x1FF80] =	vst v63  }
0xbd: {  	_ =	swait.ge [sflag:s28], $0x1000  }
0xbe: {  	[sflag:s28] =	ssyncset.done $0x0  }
0xbf: {  	[sflag:s28] =	ssyncadd.s32 $0xFFFFF000  }
.LBB2_6:
0xc0: {  	_ =	swait.ge [sflag:s31], $0x2710  }
0xc1: {  	[sflag:s31] =	ssyncset.done $0x0  }
0xc2: {  	[sflag:s31] =	ssyncadd.s32 $0xFFFFD8F0  }
0xc3: {  	_ =	swait.ge [sflag:s31], $0x2710  }
0xc4: {  	[sflag:s31] =	ssyncset.done $0x0  }
0xc5: {  	[sflag:s31] =	ssyncadd.s32 $0xFFFFD8F0  }
0xc6: {  	s17 =	simm.s32 $0x0;
	[bflag:$0x0] =	sbarrier.arrive $0xFFFF  }
0xc7: {  	[tilespmem:s26], [sflag:$0x2] =	stream.indirect.gather [hbm4b:s0+s1], $0x80, s17, s1, $0xb8;
	[tilespmem:$0x1FF80] =	vst v63  }
0xc8: {  	s9 =	rddreg [dreg:$0x1b]  }
0xc9: {  	[tilespmem:s8], [sflag:$0x2] =	stream.linear.gather [hbm4b:s9+s17], $0x1400, $0x38;
	[tilespmem:$0x1FF80] =	vst v63  }
0xca: {  	_ = 	snop  }
0xcb: {  	[tilespmem:s10], [sflag:$0x3] =	stream.indirect.gather [hbm4b:s0+s1], $0x80, s1, s1, $0xb8;
	[tilespmem:$0x1FF80] =	vst v63  }
0xcc: {  	s18 =	rddreg [dreg:$0xf]  }
0xcd: {  	[tilespmem:s11], [sflag:$0x3] =	stream.linear.gather [hbm4b:s18+s17], $0x1400, $0x38;
	[tilespmem:$0x1FF80] =	vst v63  }
0xce: {  	_ =	swait.ge [sflag:s12], $0x1400  }
0xcf: {  	[sflag:s12] =	ssyncset.done $0x0  }
0xd0: {  	[sflag:s12] =	ssyncadd.s32 $0xFFFFEC00  }
0xd1: {  	_ =	swait.ge [sflag:s12], $0x1400  }
0xd2: {  	[sflag:s12] =	ssyncset.done $0x0  }
0xd3: {  	[sflag:s12] =	ssyncadd.s32 $0xFFFFEC00  }
0xd4: {  	[spmem:s3] =	stream.indirect.scatter.add.f32 [tilespmem:s26], [sflag:$0x5], $0x80, s25, s1, $0xb8;
	[tilespmem:$0x1FF80] =	vst v63  }
0xd5: {  	_ = 	snop  }
0xd6: {  	[spmem:s3] =	stream.indirect.scatter.add.f32 [tilespmem:s8], [sflag:$0x5], $0x80, s25, s1, $0xb8;
	[tilespmem:$0x1FF80] =	vst v63  }
0xd7: {  	s18 =	simm.s32 $0x50  }
0xd8: {  	[tilespmem:s14], [sflag:$0x4] =	stream.indirect.gather [hbm4b:s0+s1], $0x80, s18, s1, $0xb8;
	[tilespmem:$0x1FF80] =	vst v63  }
0xd9: {  	s18 =	rddreg [dreg:$0x10]  }
0xda: {  	[tilespmem:s13], [sflag:$0x4] =	stream.linear.gather [hbm4b:s18+s17], $0x1400, $0x38;
	[tilespmem:$0x1FF80] =	vst v63  }
0xdb: {  	_ =	swait.ge [sflag:s21], $0x1400  }
0xdc: {  	[sflag:s21] =	ssyncset.done $0x0  }
0xdd: {  	[sflag:s21] =	ssyncadd.s32 $0xFFFFEC00  }
0xde: {  	_ =	swait.ge [sflag:s21], $0x1400  }
0xdf: {  	[sflag:s21] =	ssyncset.done $0x0  }
0xe0: {  	[sflag:s21] =	ssyncadd.s32 $0xFFFFEC00  }
0xe1: {  	[spmem:s3] =	stream.indirect.scatter.add.f32 [tilespmem:s10], [sflag:$0x6], $0x80, s2, s1, $0xb8;
	[tilespmem:$0x1FF80] =	vst v63  }
0xe2: {  	_ = 	snop  }
0xe3: {  	[spmem:s3] =	stream.indirect.scatter.add.f32 [tilespmem:s11], [sflag:$0x6], $0x80, s2, s1, $0xb8;
	[tilespmem:$0x1FF80] =	vst v63  }
0xe4: {  	_ =	swait.ge [sflag:s22], $0x1400  }
0xe5: {  	[sflag:s22] =	ssyncset.done $0x0  }
0xe6: {  	[sflag:s22] =	ssyncadd.s32 $0xFFFFEC00  }
0xe7: {  	_ =	swait.ge [sflag:s22], $0x1400  }
0xe8: {  	[sflag:s22] =	ssyncset.done $0x0  }
0xe9: {  	s18 =	simm.s32 $0x78;
	[sflag:s22] =	ssyncadd.s32 $0xFFFFEC00  }
0xea: {  	[tilespmem:s26], [sflag:$0x2] =	stream.indirect.gather [hbm4b:s0+s1], $0x80, s18, s1, $0xb8;
	[tilespmem:$0x1FF80] =	vst v63  }
0xeb: {  	s9 =	sadd.s32 $0xFFFFFB00, s19  }
0xec: {  	[tilespmem:s8], [sflag:$0x2] =	stream.linear.gather [hbm4b:s9+s4], $0x1400, $0x38;
	[tilespmem:$0x1FF80] =	vst v63  }
0xed: {  	_ =	swait.ge [sflag:s23], $0x1400  }
0xee: {  	[sflag:s23] =	ssyncset.done $0x0  }
0xef: {  	[sflag:s23] =	ssyncadd.s32 $0xFFFFEC00  }
0xf0: {  	_ =	swait.ge [sflag:s23], $0x1400  }
0xf1: {  	[sflag:s23] =	ssyncset.done $0x0  }
0xf2: {  	s18 =	simm.s32 $0x27D0;
	[sflag:s23] =	ssyncadd.s32 $0xFFFFEC00  }
0xf3: {  	[spmem:s3] =	stream.indirect.scatter.add.f32 [tilespmem:s14], [sflag:$0x7], $0x80, s18, s1, $0xb8;
	[tilespmem:$0x1FF80] =	vst v63  }
0xf4: {  	_ = 	snop  }
0xf5: {  	[spmem:s3] =	stream.indirect.scatter.add.f32 [tilespmem:s13], [sflag:$0x7], $0x80, s18, s1, $0xb8;
	[tilespmem:$0x1FF80] =	vst v63  }
0xf6: {  	_ =	swait.ge [sflag:s24], $0x1400  }
0xf7: {  	[sflag:s24] =	ssyncset.done $0x0  }
0xf8: {  	[sflag:s24] =	ssyncadd.s32 $0xFFFFEC00  }
0xf9: {  	_ =	swait.ge [sflag:s24], $0x1400  }
0xfa: {  	[sflag:s24] =	ssyncset.done $0x0  }
0xfb: {  	s9 =	simm.s32 $0xA0;
	[sflag:s24] =	ssyncadd.s32 $0xFFFFEC00  }
0xfc: {  	[tilespmem:s10], [sflag:$0x3] =	stream.indirect.gather [hbm4b:s0+s1], $0x80, s9, s1, $0xb8;
	[tilespmem:$0x1FF80] =	vst v63  }
0xfd: {  	s18 =	sadd.s32 $0xFFFFFD80, s19  }
0xfe: {  	[tilespmem:s11], [sflag:$0x3] =	stream.linear.gather [hbm4b:s18+s4], $0x1400, $0x38;
	[tilespmem:$0x1FF80] =	vst v63  }
0xff: {  	_ =	swait.ge [sflag:s12], $0x1400  }
0x100: {  	[sflag:s12] =	ssyncset.done $0x0  }
0x101: {  	[sflag:s12] =	ssyncadd.s32 $0xFFFFEC00  }
0x102: {  	_ =	swait.ge [sflag:s12], $0x1400  }
0x103: {  	[sflag:s12] =	ssyncset.done $0x0  }
0x104: {  	s9 =	simm.s32 $0x27F8;
	[sflag:s12] =	ssyncadd.s32 $0xFFFFEC00  }
0x105: {  	[spmem:s3] =	stream.indirect.scatter.add.f32 [tilespmem:s26], [sflag:$0x5], $0x80, s9, s1, $0xb8;
	[tilespmem:$0x1FF80] =	vst v63  }
0x106: {  	_ = 	snop  }
0x107: {  	[spmem:s3] =	stream.indirect.scatter.add.f32 [tilespmem:s8], [sflag:$0x5], $0x80, s9, s1, $0xb8;
	[tilespmem:$0x1FF80] =	vst v63  }
0x108: {  	_ =	swait.ge [sflag:s5], $0x1400  }
0x109: {  	[sflag:s5] =	ssyncset.done $0x0  }
0x10a: {  	[sflag:s5] =	ssyncadd.s32 $0xFFFFEC00  }
0x10b: {  	_ =	swait.ge [sflag:s5], $0x1400  }
0x10c: {  	[sflag:s5] =	ssyncset.done $0x0  }
0x10d: {  	s18 =	simm.s32 $0xC8;
	[sflag:s5] =	ssyncadd.s32 $0xFFFFEC00  }
0x10e: {  	[tilespmem:s14], [sflag:$0x4] =	stream.indirect.gather [hbm4b:s0+s1], $0x80, s18, s1, $0xb8;
	[tilespmem:$0x1FF80] =	vst v63  }
0x10f: {  	_ = 	snop  }
0x110: {  	[tilespmem:s13], [sflag:$0x4] =	stream.linear.gather [hbm4b:s19+s4], $0x1400, $0x38;
	[tilespmem:$0x1FF80] =	vst v63  }
0x111: {  	_ =	swait.ge [sflag:s21], $0x1400  }
0x112: {  	[sflag:s21] =	ssyncset.done $0x0  }
0x113: {  	[sflag:s21] =	ssyncadd.s32 $0xFFFFEC00  }
0x114: {  	_ =	swait.ge [sflag:s21], $0x1400  }
0x115: {  	s29 =	simm.s32 $0x2820;
	[sflag:s21] =	ssyncset.done $0x0  }
0x116: {  	s17 =	simm.s32 $0x1E0;
	s18 =	sadd.s32 $0x780, s19;
	[sflag:s21] =	ssyncadd.s32 $0xFFFFEC00  }
0x117: {  	[spmem:s3] =	stream.indirect.scatter.add.f32 [tilespmem:s10], [sflag:$0x6], $0x80, s29, s1, $0xb8;
	[tilespmem:$0x1FF80] =	vst v63  }
.LBB2_7:
0x118: {  	[spmem:s3] =	stream.indirect.scatter.add.f32 [tilespmem:s11], [sflag:$0x6], $0x80, s29, s1, $0xb8;
	[tilespmem:$0x1FF80] =	vst v63  }
0x119: {  	s29 =	smov.u32 s17  }
0x11a: {  	p1 =	sne.s32 s17, $0x97E0;
	s17 =	sadd.s32 $0x1E0, s17;
	_ =	swait.ge [sflag:s22], $0x1400  }
0x11b: {  	[sflag:s22] =	ssyncset.done $0x0  }
0x11c: {  	[sflag:s22] =	ssyncadd.s32 $0xFFFFEC00  }
0x11d: {  	_ =	swait.ge [sflag:s22], $0x1400  }
0x11e: {  	s29 =	sshra.s32 s29, $0x2;
	[sflag:s22] =	ssyncset.done $0x0  }
0x11f: {  	s9 =	sadd.s32 $0x78, s29;
	[sflag:s22] =	ssyncadd.s32 $0xFFFFEC00  }
0x120: {  	[tilespmem:s26], [sflag:$0x2] =	stream.indirect.gather [hbm4b:s0+s1], $0x80, s9, s1, $0xb8;
	[tilespmem:$0x1FF80] =	vst v63  }
0x121: {  	s9 =	sadd.s32 $0xFFFFFB00, s18  }
0x122: {  	[tilespmem:s8], [sflag:$0x2] =	stream.linear.gather [hbm4b:s9+s4], $0x1400, $0x38;
	[tilespmem:$0x1FF80] =	vst v63  }
0x123: {  	_ =	swait.ge [sflag:s23], $0x1400  }
0x124: {  	[sflag:s23] =	ssyncset.done $0x0  }
0x125: {  	[sflag:s23] =	ssyncadd.s32 $0xFFFFEC00  }
0x126: {  	_ =	swait.ge [sflag:s23], $0x1400  }
0x127: {  	[sflag:s23] =	ssyncset.done $0x0  }
0x128: {  	s9 =	sadd.s32 $0x27D0, s29;
	[sflag:s23] =	ssyncadd.s32 $0xFFFFEC00  }
0x129: {  	[spmem:s3] =	stream.indirect.scatter.add.f32 [tilespmem:s14], [sflag:$0x7], $0x80, s9, s1, $0xb8;
	[tilespmem:$0x1FF80] =	vst v63  }
0x12a: {  	_ = 	snop  }
0x12b: {  	[spmem:s3] =	stream.indirect.scatter.add.f32 [tilespmem:s13], [sflag:$0x7], $0x80, s9, s1, $0xb8;
	[tilespmem:$0x1FF80] =	vst v63  }
0x12c: {  	_ =	swait.ge [sflag:s24], $0x1400  }
0x12d: {  	[sflag:s24] =	ssyncset.done $0x0  }
0x12e: {  	[sflag:s24] =	ssyncadd.s32 $0xFFFFEC00  }
0x12f: {  	_ =	swait.ge [sflag:s24], $0x1400  }
0x130: {  	[sflag:s24] =	ssyncset.done $0x0  }
0x131: {  	s9 =	sadd.s32 $0xA0, s29;
	[sflag:s24] =	ssyncadd.s32 $0xFFFFEC00  }
0x132: {  	[tilespmem:s10], [sflag:$0x3] =	stream.indirect.gather [hbm4b:s0+s1], $0x80, s9, s1, $0xb8;
	[tilespmem:$0x1FF80] =	vst v63  }
0x133: {  	s9 =	sadd.s32 $0xFFFFFD80, s18  }
0x134: {  	[tilespmem:s11], [sflag:$0x3] =	stream.linear.gather [hbm4b:s9+s4], $0x1400, $0x38;
	[tilespmem:$0x1FF80] =	vst v63  }
0x135: {  	_ =	swait.ge [sflag:s12], $0x1400  }
0x136: {  	[sflag:s12] =	ssyncset.done $0x0  }
0x137: {  	[sflag:s12] =	ssyncadd.s32 $0xFFFFEC00  }
0x138: {  	_ =	swait.ge [sflag:s12], $0x1400  }
0x139: {  	[sflag:s12] =	ssyncset.done $0x0  }
0x13a: {  	s9 =	sadd.s32 $0x27F8, s29;
	[sflag:s12] =	ssyncadd.s32 $0xFFFFEC00  }
0x13b: {  	[spmem:s3] =	stream.indirect.scatter.add.f32 [tilespmem:s26], [sflag:$0x5], $0x80, s9, s1, $0xb8;
	[tilespmem:$0x1FF80] =	vst v63  }
0x13c: {  	_ = 	snop  }
0x13d: {  	[spmem:s3] =	stream.indirect.scatter.add.f32 [tilespmem:s8], [sflag:$0x5], $0x80, s9, s1, $0xb8;
	[tilespmem:$0x1FF80] =	vst v63  }
0x13e: {  	_ =	swait.ge [sflag:s5], $0x1400  }
0x13f: {  	[sflag:s5] =	ssyncset.done $0x0  }
0x140: {  	[sflag:s5] =	ssyncadd.s32 $0xFFFFEC00  }
0x141: {  	_ =	swait.ge [sflag:s5], $0x1400  }
0x142: {  	[sflag:s5] =	ssyncset.done $0x0  }
0x143: {  	s9 =	sadd.s32 $0xC8, s29;
	[sflag:s5] =	ssyncadd.s32 $0xFFFFEC00  }
0x144: {  	[tilespmem:s14], [sflag:$0x4] =	stream.indirect.gather [hbm4b:s0+s1], $0x80, s9, s1, $0xb8;
	[tilespmem:$0x1FF80] =	vst v63  }
0x145: {  	_ = 	snop  }
0x146: {  	[tilespmem:s13], [sflag:$0x4] =	stream.linear.gather [hbm4b:s18+s4], $0x1400, $0x38;
	[tilespmem:$0x1FF80] =	vst v63  }
0x147: {  	_ =	swait.ge [sflag:s21], $0x1400  }
0x148: {  	[sflag:s21] =	ssyncset.done $0x0  }
0x149: {  	[sflag:s21] =	ssyncadd.s32 $0xFFFFEC00  }
.Ltmp3:
0x14a: {  	_ =	swait.ge [sflag:s21], $0x1400;
	(pc) =	sbr.rel @p1 .LBB2_7-.Ltmp3, $4  }
0x14b: {  	[sflag:s21] =	ssyncset.done $0x0  }
0x14c: {  	s29 =	sadd.s32 $0x2820, s29;
	[sflag:s21] =	ssyncadd.s32 $0xFFFFEC00  }
0x14d: {  	[spmem:s3] =	stream.indirect.scatter.add.f32 [tilespmem:s10], [sflag:$0x6], $0x80, s29, s1, $0xb8;
	[tilespmem:$0x1FF80] =	vst v63  }
0x14e: {  	s18 =	sadd.s32 $0x780, s18  }
0x14f: {  	[spmem:s3] =	stream.indirect.scatter.add.f32 [tilespmem:s11], [sflag:$0x6], $0x80, s29, s1, $0xb8;
	[tilespmem:$0x1FF80] =	vst v63  }
0x150: {  	_ =	swait.ge [sflag:s22], $0x1400  }
0x151: {  	[sflag:s22] =	ssyncset.done $0x0  }
0x152: {  	[sflag:s22] =	ssyncadd.s32 $0xFFFFEC00  }
0x153: {  	_ =	swait.ge [sflag:s22], $0x1400  }
0x154: {  	[sflag:s22] =	ssyncset.done $0x0  }
0x155: {  	s9 =	simm.s32 $0x26E8;
	[sflag:s22] =	ssyncadd.s32 $0xFFFFEC00  }
0x156: {  	[tilespmem:s26], [sflag:$0x2] =	stream.indirect.gather [hbm4b:s0+s1], $0x80, s9, s1, $0xb8;
	[tilespmem:$0x1FF80] =	vst v63  }
0x157: {  	s29 =	rddreg [dreg:$0x11]  }
0x158: {  	[tilespmem:s8], [sflag:$0x2] =	stream.linear.gather [hbm4b:s29+s4], $0x1400, $0x38;
	[tilespmem:$0x1FF80] =	vst v63  }
0x159: {  	_ =	swait.ge [sflag:s23], $0x1400  }
0x15a: {  	[sflag:s23] =	ssyncset.done $0x0  }
0x15b: {  	[sflag:s23] =	ssyncadd.s32 $0xFFFFEC00  }
0x15c: {  	_ =	swait.ge [sflag:s23], $0x1400  }
0x15d: {  	[sflag:s23] =	ssyncset.done $0x0  }
0x15e: {  	[sflag:s23] =	ssyncadd.s32 $0xFFFFEC00  }
0x15f: {  	[spmem:s3] =	stream.indirect.scatter.add.f32 [tilespmem:s14], [sflag:$0x7], $0x80, s6, s1, $0xb8;
	[tilespmem:$0x1FF80] =	vst v63  }
0x160: {  	_ = 	snop  }
0x161: {  	[spmem:s3] =	stream.indirect.scatter.add.f32 [tilespmem:s13], [sflag:$0x7], $0x80, s6, s1, $0xb8;
	[tilespmem:$0x1FF80] =	vst v63  }
0x162: {  	_ =	swait.ge [sflag:s12], $0x1400  }
0x163: {  	[sflag:s12] =	ssyncset.done $0x0  }
0x164: {  	[sflag:s12] =	ssyncadd.s32 $0xFFFFEC00  }
0x165: {  	_ =	swait.ge [sflag:s12], $0x1400  }
0x166: {  	[sflag:s12] =	ssyncset.done $0x0  }
0x167: {  	[sflag:s12] =	ssyncadd.s32 $0xFFFFEC00  }
0x168: {  	[spmem:s3] =	stream.indirect.scatter.add.f32 [tilespmem:s26], [sflag:$0x5], $0x80, s15, s1, $0xb8;
	[tilespmem:$0x1FF80] =	vst v63  }
0x169: {  	_ = 	snop  }
0x16a: {  	[spmem:s3] =	stream.indirect.scatter.add.f32 [tilespmem:s8], [sflag:$0x5], $0x80, s15, s1, $0xb8;
	[tilespmem:$0x1FF80] =	vst v63  }
0x16b: {  	_ =	swait.ge [sflag:s24], $0x1400  }
0x16c: {  	[sflag:s24] =	ssyncset.done $0x0  }
0x16d: {  	[sflag:s24] =	ssyncadd.s32 $0xFFFFEC00  }
0x16e: {  	_ =	swait.ge [sflag:s24], $0x1400  }
0x16f: {  	[sflag:s24] =	ssyncset.done $0x0  }
0x170: {  	[sflag:s24] =	ssyncadd.s32 $0xFFFFEC00  }
0x171: {  	_ =	swait.ge [sflag:s5], $0x1400  }
0x172: {  	[sflag:s5] =	ssyncset.done $0x0  }
0x173: {  	[sflag:s5] =	ssyncadd.s32 $0xFFFFEC00  }
0x174: {  	_ =	swait.ge [sflag:s5], $0x1400  }
0x175: {  	[sflag:s5] =	ssyncset.done $0x0  }
0x176: {  	[sflag:s5] =	ssyncadd.s32 $0xFFFFEC00  }
0x177: {  	_ =	swait.ge [sflag:s22], $0x1400  }
0x178: {  	[sflag:s22] =	ssyncset.done $0x0  }
0x179: {  	[sflag:s22] =	ssyncadd.s32 $0xFFFFEC00  }
0x17a: {  	_ =	swait.ge [sflag:s22], $0x1400  }
0x17b: {  	[sflag:s22] =	ssyncset.done $0x0  }
0x17c: {  	[sflag:s22] =	ssyncadd.s32 $0xFFFFEC00  }
0x17d: {  	[bflag:$0x0] =	sbarrier.arrive $0xFFFF  }
0x17e: {  	s17 =	simm.s32 @p0 $0x1FC8;
	s9 =	sshrl.u32 @p0 s30, $0x3;
	s18 =	rddreg [dreg:$0x12]  }
0x17f: {  	[hbm:s18], [sflag:s17] =	dma.local @p0 [spmem:s9], $0x2080  }
0x180: {  	s16 =	sadd.s32 $0x1, s16;
	s9 =	simm.s32 @p0 $0x8  }
0x181: {  	p1 =	sne.s32 s16, s20;
	s17 =	stileid.u32;
	_ =	swait.ge @p0 [sflag:s9], $0x2080  }
0x182: {  	s17 =	sshll.u32 @!p0 s17, $0x6;
	[sflag:s9] =	ssyncset.done @p0 $0x0;
	s18 =	rddreg [dreg:$0x1f]  }
0x183: {  	[sflag:s9] =	ssyncadd.s32 @p0 $0xFFFFDF80;
	s9 =	sor.u32 @!p0 $0x1C08, s17;
	s17 =	sshrl.u32 @!p0 s7, $0x3  }
0x184: {  	[hbm:s18], [sflag:s9] =	dma.local @!p0 [spmem:s17], $0x2780  }
.Ltmp4:
0x185: {  	_ = 	snop;
	(pc) =	sbr.rel @p1 .LBB2_1-.Ltmp4, $4  }
0x186: {  	s9 =	simm.s32 @!p0 $0x8  }
0x187: {  	_ =	swait.ge @!p0 [sflag:s9], $0x2780  }
0x188: {  	[sflag:s9] =	ssyncset.done @!p0 $0x0  }
0x189: {  	[sflag:s9] =	ssyncadd.s32 @!p0 $0xFFFFD880  }
0x18a: {  	_ =	sfence.sel $0x180000  }
0x18b: {  	[bflag:$0x0] =	sbarrier.arrive $0xFFFF  }
0x18c: {  	_ =	strace $0x90000047  }
0x18d: {  	s0 =	stileid.u32;
	[bflag:$0x2] =	sbarrier.arrive $0xFFFF  }
0x18e: {  	p0 =	sne.s32 s0, $0x0;
	s0 =	rddreg [dreg:$0x5]  }
0x18f: {  	s0 =	sadd.s32 @!p0 $0x100000, s0  }
0x190: {  	[sflag:s0] =	ssyncadd.tile.s32 @!p0 $0x1;
	_ =	shalt  }
.Lfunc_end2:
_tile_overlayer_lowered:
.L_overlay_start_2:
0x191: {  	(tag) =	ssettag $0x2  }
0x192: {  	s0 =	rddreg [dreg:$0x0];
	s2 =	stileid.u32  }
0x193: {  	s1 =	rddreg [dreg:$0x1];
	p0 =	sne.s32 s2, $0x0  }
0x194: {  	s3 =	rddreg [dreg:$0x2];
	[bflag:$0x3] =	sbarrier.arrive $0xFFFF;
	s2 =	simm.s32 @!p0 $0x1C08  }
0x195: {  	[timem:s3], [sflag:s2] =	dma.local @!p0 [hbm:s0], s1  }
0x196: {  	s0 =	simm.s32 @!p0 $0x8  }
0x197: {  	_ =	swait.ge @!p0 [sflag:s0], s1  }
0x198: {  	s1 =	ssub.s32 @!p0 $0x0, s1;
	[sflag:s0] =	ssyncset.done @!p0 $0x0  }
0x199: {  	[sflag:s0] =	ssyncadd.s32 @!p0 s1  }
0x19a: {  	[bflag:$0x3] =	sbarrier.arrive $0xFFFF  }
0x19b: {  	_ =	shalt  }

</sc_bundles>
